<compile_context>
chip_gen: v7x
topology: tpu7x:2x2x1
jax: 0.10.2.dev20260603
libtpu: 0.0.44.dev20260713+nightly
codegen_flags: <defaults>
</compile_context>

<pallas_src>
import functools

import jax
import jax.numpy as jnp
from jax import lax
from jax.experimental import pallas as pl
from jax.experimental.pallas import tpu as pltpu
from jax.experimental.pallas import tpu_sc as plsc

N = 10000
E = 320000
D_IN = 128
S = 64
C = 40
BOUND = 10.0

NC = 2
NS = 16
F = S // NC
K = 128
EPT = -(-E // NS)
BLK = 512
NBLK = -(-EPT // BLK)
EPT_PAD = NBLK * BLK
SRC_LEN = (NBLK + 1) * BLK
NPAD = -(-N // (NS * 8)) * NS * 8
SLAB = NPAD // NS
HSLAB = N // NS



def _tc_in_body(x_ref, w_ref, b_ref, o_ref):
    r = (jnp.dot(x_ref[...], w_ref[...], preferred_element_type=jnp.float32)
         + b_ref[...])
    o_ref[0:N, :] = r[:, 0:F]
    o_ref[N:2 * N, :] = r[:, F:S]


def _tc_in(x, W_in, b_in):
    return pl.pallas_call(
        _tc_in_body,
        out_shape=jax.ShapeDtypeStruct((NC * N, F), jnp.float32),
    )(x, W_in, b_in.reshape(1, S))


def _tc_update_body(h_ref, parts_ref, w_ref, b_ref, o_ref):
    h = jnp.concatenate([h_ref[0:N, :], h_ref[N:2 * N, :]], axis=1)
    agg = jnp.concatenate([parts_ref[0:N, :], parts_ref[NPAD:NPAD + N, :]],
                          axis=1)
    clamped = jnp.clip(agg, 0.0, BOUND)
    r = (jnp.dot(h, w_ref[0:S, :], preferred_element_type=jnp.float32)
         + jnp.dot(clamped, w_ref[S:2 * S, :],
                   preferred_element_type=jnp.float32)
         + b_ref[...])
    o_ref[0:N, :] = r[:, 0:F]
    o_ref[N:2 * N, :] = r[:, F:S]


def _tc_update(h, parts, W, b):
    return pl.pallas_call(
        _tc_update_body,
        out_shape=jax.ShapeDtypeStruct((NC * N, F), jnp.float32),
    )(h, parts, W, b.reshape(1, S))


def _tc_finish_body(h_ref, parts_ref, w_ref, b_ref, wo_ref, bo_ref, o_ref):
    h = jnp.concatenate([h_ref[0:N, :], h_ref[N:2 * N, :]], axis=1)
    agg = jnp.concatenate([parts_ref[0:N, :], parts_ref[NPAD:NPAD + N, :]],
                          axis=1)
    clamped = jnp.clip(agg, 0.0, BOUND)
    h2 = (jnp.dot(h, w_ref[0:S, :], preferred_element_type=jnp.float32)
          + jnp.dot(clamped, w_ref[S:2 * S, :],
                    preferred_element_type=jnp.float32)
          + b_ref[...])
    logits = (jnp.dot(h2, wo_ref[...], preferred_element_type=jnp.float32)
              + bo_ref[...])
    m = jnp.max(logits, axis=-1, keepdims=True)
    z = logits - m
    lse = jnp.log(jnp.sum(jnp.exp(z), axis=-1, keepdims=True))
    o_ref[...] = z - lse


def _tc_finish(h, parts, W, b, W_out, b_out):
    return pl.pallas_call(
        _tc_finish_body,
        out_shape=jax.ShapeDtypeStruct((N, C), jnp.float32),
    )(h, parts, W, b.reshape(1, S), W_out, b_out.reshape(1, C))



def _sc_body(h_hbm, src_hbm, dst_hbm, zeros_hbm, out_hbm,
             src_v, dst_v, rows_v, h_sh, agg_sh, gsem, ssem):
    c = lax.axis_index("c")
    s = lax.axis_index("s")

    d0 = pltpu.async_copy(zeros_hbm, agg_sh.at[pl.ds(s * SLAB, SLAB)],
                          ssem.at[0])
    d1 = pltpu.async_copy(h_hbm.at[pl.ds(c * N + s * HSLAB, HSLAB)],
                          h_sh.at[pl.ds(s * HSLAB, HSLAB)], ssem.at[1])
    d2 = pltpu.async_copy(src_hbm.at[s], src_v, gsem.at[0])
    d3 = pltpu.async_copy(dst_hbm.at[s], dst_v, gsem.at[1])
    d0.wait()
    d1.wait()
    d2.wait()
    d3.wait()
    plsc.subcore_barrier()

    pltpu.async_copy(h_sh.at[src_v.at[pl.ds(0, BLK)]], rows_v.at[0],
                     gsem.at[0])

    def chunk(j, carry):
        b = j % 3
        nb = (j + 1) % 3
        pltpu.make_async_copy(h_sh.at[src_v.at[pl.ds(j * BLK, BLK)]],
                              rows_v.at[b], gsem.at[b]).wait()

        @pl.when(j >= 2)
        def _():
            pltpu.make_async_copy(rows_v.at[nb],
                                  agg_sh.at[dst_v.at[pl.ds(0, BLK)]],
                                  ssem.at[nb]).wait()

        pltpu.async_copy(h_sh.at[src_v.at[pl.ds((j + 1) * BLK, BLK)]],
                         rows_v.at[nb], gsem.at[nb])
        pltpu.async_copy(rows_v.at[b],
                         agg_sh.at[dst_v.at[pl.ds(j * BLK, BLK)]],
                         ssem.at[b], add=True)
        return carry

    lax.fori_loop(0, NBLK, chunk, 0, unroll=False)
    for t in (NBLK - 2, NBLK - 1):
        pltpu.make_async_copy(rows_v.at[t % 3],
                              agg_sh.at[dst_v.at[pl.ds(0, BLK)]],
                              ssem.at[t % 3]).wait()
    pltpu.make_async_copy(h_sh.at[src_v.at[pl.ds(0, BLK)]],
                          rows_v.at[NBLK % 3], gsem.at[NBLK % 3]).wait()
    plsc.subcore_barrier()
    pltpu.sync_copy(agg_sh.at[pl.ds(s * SLAB, SLAB)],
                    out_hbm.at[pl.ds(c * NPAD + s * SLAB, SLAB)])


@functools.partial(
    pl.kernel,
    out_type=jax.ShapeDtypeStruct((NC * NPAD, F), jnp.float32),
    mesh=plsc.VectorSubcoreMesh(core_axis_name="c", subcore_axis_name="s",
                                num_cores=NC, num_subcores=NS),
    compiler_params=pltpu.CompilerParams(use_tc_tiling_on_sc=False),
    scratch_types=[
        pltpu.VMEM((SRC_LEN,), jnp.int32),
        pltpu.VMEM((NBLK * BLK,), jnp.int32),
        pltpu.VMEM((3, BLK, F), jnp.float32),
        pltpu.VMEM_SHARED((N, F), jnp.float32),
        pltpu.VMEM_SHARED((NPAD, F), jnp.float32),
        pltpu.SemaphoreType.DMA((3,)),
        pltpu.SemaphoreType.DMA((3,)),
    ],
)
def _sc_layer(*args):
    _sc_body(*args)



def kernel(x, edge_index, W_in, b_in, W0, b0, W1, b1, W_out, b_out):
    src = edge_index[0].astype(jnp.int32)
    dst = edge_index[1].astype(jnp.int32)
    pad = NS * EPT_PAD - E
    src3 = jnp.concatenate([src, jnp.zeros((pad,), jnp.int32)])
    src3 = src3.reshape(NS, EPT_PAD)
    src3 = jnp.concatenate([src3, jnp.zeros((NS, BLK), jnp.int32)], axis=1)
    dst3 = jnp.concatenate([dst, jnp.full((pad,), N, jnp.int32)])
    dst3 = dst3.reshape(NS, EPT_PAD)
    zeros = jnp.zeros((SLAB, F), jnp.float32)

    h = _tc_in(x.astype(jnp.float32), W_in, b_in)
    parts = _sc_layer(h, src3, dst3, zeros)
    h = _tc_update(h, parts, W0, b0)
    parts = _sc_layer(h, src3, dst3, zeros)
    return _tc_finish(h, parts, W1, b1, W_out, b_out)

# --- scband reference (transcript-rebuilt; emitter-appended) ---
"""Pipeline reference for scband-bronze-age-gnn-90134183674239 (READ-ONLY COPY).

The authoritative reference and input builder live on the scoring server;
editing this copy changes nothing except your own understanding.
"""

import jax, jax.numpy as jnp
import numpy as np

N = 10000
E = 320000
D_IN = 128
S = 64
C = 40
BOUND = 10.0

def setup_inputs(seed: int = 0) -> dict:
    key = jax.random.key(seed)
    ks = jax.random.split(key, 10)
    x = jax.random.normal(ks[0], (N, D_IN), dtype=jnp.float32)
    edge_index = jax.random.randint(ks[1], (2, E), 0, N)
    W_in = jax.random.normal(ks[2], (D_IN, S), dtype=jnp.float32) / np.sqrt(D_IN)
    b_in = jnp.zeros((S,), jnp.float32)
    W0 = jax.random.normal(ks[3], (2 * S, S), dtype=jnp.float32) / np.sqrt(2 * S)
    b0 = jnp.zeros((S,), jnp.float32)
    W1 = jax.random.normal(ks[4], (2 * S, S), dtype=jnp.float32) / np.sqrt(2 * S)
    b1 = jnp.zeros((S,), jnp.float32)
    W_out = jax.random.normal(ks[5], (S, C), dtype=jnp.float32) / np.sqrt(S)
    b_out = jnp.zeros((C,), jnp.float32)
    return {"x": x, "edge_index": edge_index, "W_in": W_in, "b_in": b_in,
            "W0": W0, "b0": b0, "W1": W1, "b1": b1,
            "W_out": W_out, "b_out": b_out}

def reference(x, edge_index, W_in, b_in, W0, b0, W1, b1, W_out, b_out):
    # BronzeAgeGNN with layer_type=LINEAR, nonlinearity=None (Identity),
    # aggregation_mode=STONE_AGE, skip_connection=False, eval mode.
    src = edge_index[0]
    dst = edge_index[1]
    # InputLayer: BronzeAgeLayer(LINEAR) + Identity nonlinearity
    h = x.astype(jnp.float32) @ W_in + b_in
    # StoneAgeLayer-0 / StoneAgeLayer-1 (MessagePassing, aggr='add')
    for (W, b) in ((W0, b0), (W1, b1)):
        msg = jnp.take(h, src, axis=0)                      # message: x_j
        agg = jax.ops.segment_sum(msg, dst, num_segments=N) # scatter-add at dst
        clamped = jnp.clip(agg, 0.0, BOUND)                 # bounded sum (STONE_AGE)
        combined = jnp.concatenate([h, clamped], axis=1)    # update: cat((x, inputs), 1)
        h = combined @ W + b                                # BronzeAgeLayer linear + Identity
    # PoolingLayer: BronzeAgeLayer(LINEAR) with LogSoftmax non-linearity
    logits = h @ W_out + b_out
    out = jax.nn.log_softmax(logits, axis=-1)
    return out

if __name__ == "__main__":
    import jax
    _d = setup_inputs()
    print(jax.jit(kernel)(*tuple(_d.values())))

</pallas_src>

<mosaic_0001>
#map = affine_map<(d0, d1) -> (0, 0)>
module attributes {stable_mosaic.version = 14 : i64} {
  func.func @_sc_layer(%arg0: i32, %arg1: i32, %arg2: memref<20000x32xf32, #tpu.memory_space<hbm>>, %arg3: memref<16x20992xi32, #tpu.memory_space<hbm>>, %arg4: memref<16x20480xi32, #tpu.memory_space<hbm>>, %arg5: memref<632x32xf32, #tpu.memory_space<hbm>>, %arg6: memref<20224x32xf32, #tpu.memory_space<hbm>>, %arg7: memref<20992xi32, #tpu.memory_space<vmem>>, %arg8: memref<20480xi32, #tpu.memory_space<vmem>>, %arg9: memref<3x512x32xf32, #tpu.memory_space<vmem>>, %arg10: memref<10000x32xf32, #tpu.memory_space<vmem_shared>>, %arg11: memref<10112x32xf32, #tpu.memory_space<vmem_shared>>, %arg12: memref<3x!tpu.dma_semaphore, #tpu.memory_space<semaphore_mem>>, %arg13: memref<3x!tpu.dma_semaphore, #tpu.memory_space<semaphore_mem>>) attributes {dimension_semantics = [#tpu.dimension_semantics<core_parallel>, #tpu.dimension_semantics<subcore_parallel>], iteration_bounds = array<i64: 2, 16>, scalar_prefetch = 0 : i64, scratch_operands = 7 : i64, tpu.core_type = #tpu.core_type<sc_vector_subcore>, window_params = [{transform_indices = #map}, {transform_indices = #map}, {transform_indices = #map}, {transform_indices = #map}, {transform_indices = #map}]} {
    %mul3A = arith.constant 632 : i32
    %mul3A_0 = arith.muli %arg1, %mul3A : i32
    %dma_start3A = arith.constant 0 : i32
    %dma_start3A_1 = tpu.memref_slice %arg13[%dma_start3A] : memref<3x!tpu.dma_semaphore, #tpu.memory_space<semaphore_mem>> -> memref<1x!tpu.dma_semaphore, #tpu.memory_space<semaphore_mem>>
    %dma_start3A_2 = tpu.memref_squeeze %dma_start3A_1 : memref<1x!tpu.dma_semaphore, #tpu.memory_space<semaphore_mem>> -> memref<!tpu.dma_semaphore, #tpu.memory_space<semaphore_mem>>
    %dma_start3A_3 = arith.constant 0 : i32
    %dma_start3A_4 = tpu.memref_slice %arg11[%mul3A_0, %dma_start3A_3] : memref<10112x32xf32, #tpu.memory_space<vmem_shared>> -> memref<632x32xf32, #tpu.memory_space<vmem_shared>>
    tpu.enqueue_dma source(%arg5 : memref<632x32xf32, #tpu.memory_space<hbm>>) target(%dma_start3A_4 : memref<632x32xf32, #tpu.memory_space<vmem_shared>>) target_semaphore(%dma_start3A_2 : memref<!tpu.dma_semaphore, #tpu.memory_space<semaphore_mem>>)
    %mul3A_5 = arith.constant 10000 : i32
    %mul3A_6 = arith.muli %arg0, %mul3A_5 : i32
    %mul3A_7 = arith.constant 625 : i32
    %mul3A_8 = arith.muli %arg1, %mul3A_7 : i32
    %add3A = arith.addi %mul3A_6, %mul3A_8 : i32
    %mul3A_9 = arith.constant 625 : i32
    %mul3A_10 = arith.muli %arg1, %mul3A_9 : i32
    %dma_start3A_11 = arith.constant 1 : i32
    %dma_start3A_12 = tpu.memref_slice %arg13[%dma_start3A_11] : memref<3x!tpu.dma_semaphore, #tpu.memory_space<semaphore_mem>> -> memref<1x!tpu.dma_semaphore, #tpu.memory_space<semaphore_mem>>
    %dma_start3A_13 = tpu.memref_squeeze %dma_start3A_12 : memref<1x!tpu.dma_semaphore, #tpu.memory_space<semaphore_mem>> -> memref<!tpu.dma_semaphore, #tpu.memory_space<semaphore_mem>>
    %dma_start3A_14 = arith.constant 0 : i32
    %dma_start3A_15 = tpu.memref_slice %arg10[%mul3A_10, %dma_start3A_14] : memref<10000x32xf32, #tpu.memory_space<vmem_shared>> -> memref<625x32xf32, #tpu.memory_space<vmem_shared>>
    %dma_start3A_16 = arith.constant 0 : i32
    %dma_start3A_17 = tpu.memref_slice %arg2[%add3A, %dma_start3A_16] : memref<20000x32xf32, #tpu.memory_space<hbm>> -> memref<625x32xf32, #tpu.memory_space<hbm>>
    tpu.enqueue_dma source(%dma_start3A_17 : memref<625x32xf32, #tpu.memory_space<hbm>>) target(%dma_start3A_15 : memref<625x32xf32, #tpu.memory_space<vmem_shared>>) target_semaphore(%dma_start3A_13 : memref<!tpu.dma_semaphore, #tpu.memory_space<semaphore_mem>>)
    %dma_start3A_18 = arith.constant 0 : i32
    %dma_start3A_19 = arith.constant 0 : i32
    %dma_start3A_20 = tpu.memref_slice %arg3[%arg1, %dma_start3A_19] : memref<16x20992xi32, #tpu.memory_space<hbm>> -> memref<1x20992xi32, #tpu.memory_space<hbm>>
    %dma_start3A_21 = tpu.memref_squeeze %dma_start3A_20 : memref<1x20992xi32, #tpu.memory_space<hbm>> -> memref<20992xi32, #tpu.memory_space<hbm>>
    %dma_start3A_22 = tpu.memref_slice %arg12[%dma_start3A_18] : memref<3x!tpu.dma_semaphore, #tpu.memory_space<semaphore_mem>> -> memref<1x!tpu.dma_semaphore, #tpu.memory_space<semaphore_mem>>
    %dma_start3A_23 = tpu.memref_squeeze %dma_start3A_22 : memref<1x!tpu.dma_semaphore, #tpu.memory_space<semaphore_mem>> -> memref<!tpu.dma_semaphore, #tpu.memory_space<semaphore_mem>>
    %dma_start3A_24 = arith.constant 0 : i32
    %dma_start3A_25 = tpu.memref_slice %arg3[%arg1, %dma_start3A_24] : memref<16x20992xi32, #tpu.memory_space<hbm>> -> memref<1x20992xi32, #tpu.memory_space<hbm>>
    %dma_start3A_26 = tpu.memref_squeeze %dma_start3A_25 : memref<1x20992xi32, #tpu.memory_space<hbm>> -> memref<20992xi32, #tpu.memory_space<hbm>>
    tpu.enqueue_dma source(%dma_start3A_26 : memref<20992xi32, #tpu.memory_space<hbm>>) target(%arg7 : memref<20992xi32, #tpu.memory_space<vmem>>) target_semaphore(%dma_start3A_23 : memref<!tpu.dma_semaphore, #tpu.memory_space<semaphore_mem>>)
    %dma_start3A_27 = arith.constant 1 : i32
    %dma_start3A_28 = arith.constant 0 : i32
    %dma_start3A_29 = tpu.memref_slice %arg4[%arg1, %dma_start3A_28] : memref<16x20480xi32, #tpu.memory_space<hbm>> -> memref<1x20480xi32, #tpu.memory_space<hbm>>
    %dma_start3A_30 = tpu.memref_squeeze %dma_start3A_29 : memref<1x20480xi32, #tpu.memory_space<hbm>> -> memref<20480xi32, #tpu.memory_space<hbm>>
    %dma_start3A_31 = tpu.memref_slice %arg12[%dma_start3A_27] : memref<3x!tpu.dma_semaphore, #tpu.memory_space<semaphore_mem>> -> memref<1x!tpu.dma_semaphore, #tpu.memory_space<semaphore_mem>>
    %dma_start3A_32 = tpu.memref_squeeze %dma_start3A_31 : memref<1x!tpu.dma_semaphore, #tpu.memory_space<semaphore_mem>> -> memref<!tpu.dma_semaphore, #tpu.memory_space<semaphore_mem>>
    %dma_start3A_33 = arith.constant 0 : i32
    %dma_start3A_34 = tpu.memref_slice %arg4[%arg1, %dma_start3A_33] : memref<16x20480xi32, #tpu.memory_space<hbm>> -> memref<1x20480xi32, #tpu.memory_space<hbm>>
    %dma_start3A_35 = tpu.memref_squeeze %dma_start3A_34 : memref<1x20480xi32, #tpu.memory_space<hbm>> -> memref<20480xi32, #tpu.memory_space<hbm>>
    tpu.enqueue_dma source(%dma_start3A_35 : memref<20480xi32, #tpu.memory_space<hbm>>) target(%arg8 : memref<20480xi32, #tpu.memory_space<vmem>>) target_semaphore(%dma_start3A_32 : memref<!tpu.dma_semaphore, #tpu.memory_space<semaphore_mem>>)
    %dma_wait3A = arith.constant 0 : i32
    %dma_wait3A_36 = tpu.memref_slice %arg13[%dma_wait3A] : memref<3x!tpu.dma_semaphore, #tpu.memory_space<semaphore_mem>> -> memref<1x!tpu.dma_semaphore, #tpu.memory_space<semaphore_mem>>
    %dma_wait3A_37 = tpu.memref_squeeze %dma_wait3A_36 : memref<1x!tpu.dma_semaphore, #tpu.memory_space<semaphore_mem>> -> memref<!tpu.dma_semaphore, #tpu.memory_space<semaphore_mem>>
    %dma_wait3A_38 = arith.constant 0 : i32
    %dma_wait3A_39 = tpu.memref_slice %arg11[%mul3A_0, %dma_wait3A_38] : memref<10112x32xf32, #tpu.memory_space<vmem_shared>> -> memref<632x32xf32, #tpu.memory_space<vmem_shared>>
    tpu.wait_dma2 semaphore(%dma_wait3A_37 : memref<!tpu.dma_semaphore, #tpu.memory_space<semaphore_mem>>) src(%arg5 : memref<632x32xf32, #tpu.memory_space<hbm>>) dst(%dma_wait3A_39 : memref<632x32xf32, #tpu.memory_space<vmem_shared>>)
    %dma_wait3A_40 = arith.constant 1 : i32
    %dma_wait3A_41 = tpu.memref_slice %arg13[%dma_wait3A_40] : memref<3x!tpu.dma_semaphore, #tpu.memory_space<semaphore_mem>> -> memref<1x!tpu.dma_semaphore, #tpu.memory_space<semaphore_mem>>
    %dma_wait3A_42 = tpu.memref_squeeze %dma_wait3A_41 : memref<1x!tpu.dma_semaphore, #tpu.memory_space<semaphore_mem>> -> memref<!tpu.dma_semaphore, #tpu.memory_space<semaphore_mem>>
    %dma_wait3A_43 = arith.constant 0 : i32
    %dma_wait3A_44 = tpu.memref_slice %arg10[%mul3A_10, %dma_wait3A_43] : memref<10000x32xf32, #tpu.memory_space<vmem_shared>> -> memref<625x32xf32, #tpu.memory_space<vmem_shared>>
    %dma_wait3A_45 = arith.constant 0 : i32
    %dma_wait3A_46 = tpu.memref_slice %arg2[%add3A, %dma_wait3A_45] : memref<20000x32xf32, #tpu.memory_space<hbm>> -> memref<625x32xf32, #tpu.memory_space<hbm>>
    tpu.wait_dma2 semaphore(%dma_wait3A_42 : memref<!tpu.dma_semaphore, #tpu.memory_space<semaphore_mem>>) src(%dma_wait3A_46 : memref<625x32xf32, #tpu.memory_space<hbm>>) dst(%dma_wait3A_44 : memref<625x32xf32, #tpu.memory_space<vmem_shared>>)
    %dma_wait3A_47 = arith.constant 0 : i32
    %dma_wait3A_48 = arith.constant 0 : i32
    %dma_wait3A_49 = tpu.memref_slice %arg3[%arg1, %dma_wait3A_48] : memref<16x20992xi32, #tpu.memory_space<hbm>> -> memref<1x20992xi32, #tpu.memory_space<hbm>>
    %dma_wait3A_50 = tpu.memref_squeeze %dma_wait3A_49 : memref<1x20992xi32, #tpu.memory_space<hbm>> -> memref<20992xi32, #tpu.memory_space<hbm>>
    %dma_wait3A_51 = tpu.memref_slice %arg12[%dma_wait3A_47] : memref<3x!tpu.dma_semaphore, #tpu.memory_space<semaphore_mem>> -> memref<1x!tpu.dma_semaphore, #tpu.memory_space<semaphore_mem>>
    %dma_wait3A_52 = tpu.memref_squeeze %dma_wait3A_51 : memref<1x!tpu.dma_semaphore, #tpu.memory_space<semaphore_mem>> -> memref<!tpu.dma_semaphore, #tpu.memory_space<semaphore_mem>>
    %dma_wait3A_53 = arith.constant 0 : i32
    %dma_wait3A_54 = tpu.memref_slice %arg3[%arg1, %dma_wait3A_53] : memref<16x20992xi32, #tpu.memory_space<hbm>> -> memref<1x20992xi32, #tpu.memory_space<hbm>>
    %dma_wait3A_55 = tpu.memref_squeeze %dma_wait3A_54 : memref<1x20992xi32, #tpu.memory_space<hbm>> -> memref<20992xi32, #tpu.memory_space<hbm>>
    tpu.wait_dma2 semaphore(%dma_wait3A_52 : memref<!tpu.dma_semaphore, #tpu.memory_space<semaphore_mem>>) src(%dma_wait3A_55 : memref<20992xi32, #tpu.memory_space<hbm>>) dst(%arg7 : memref<20992xi32, #tpu.memory_space<vmem>>)
    %dma_wait3A_56 = arith.constant 1 : i32
    %dma_wait3A_57 = arith.constant 0 : i32
    %dma_wait3A_58 = tpu.memref_slice %arg4[%arg1, %dma_wait3A_57] : memref<16x20480xi32, #tpu.memory_space<hbm>> -> memref<1x20480xi32, #tpu.memory_space<hbm>>
    %dma_wait3A_59 = tpu.memref_squeeze %dma_wait3A_58 : memref<1x20480xi32, #tpu.memory_space<hbm>> -> memref<20480xi32, #tpu.memory_space<hbm>>
    %dma_wait3A_60 = tpu.memref_slice %arg12[%dma_wait3A_56] : memref<3x!tpu.dma_semaphore, #tpu.memory_space<semaphore_mem>> -> memref<1x!tpu.dma_semaphore, #tpu.memory_space<semaphore_mem>>
    %dma_wait3A_61 = tpu.memref_squeeze %dma_wait3A_60 : memref<1x!tpu.dma_semaphore, #tpu.memory_space<semaphore_mem>> -> memref<!tpu.dma_semaphore, #tpu.memory_space<semaphore_mem>>
    %dma_wait3A_62 = arith.constant 0 : i32
    %dma_wait3A_63 = tpu.memref_slice %arg4[%arg1, %dma_wait3A_62] : memref<16x20480xi32, #tpu.memory_space<hbm>> -> memref<1x20480xi32, #tpu.memory_space<hbm>>
    %dma_wait3A_64 = tpu.memref_squeeze %dma_wait3A_63 : memref<1x20480xi32, #tpu.memory_space<hbm>> -> memref<20480xi32, #tpu.memory_space<hbm>>
    tpu.wait_dma2 semaphore(%dma_wait3A_61 : memref<!tpu.dma_semaphore, #tpu.memory_space<semaphore_mem>>) src(%dma_wait3A_64 : memref<20480xi32, #tpu.memory_space<hbm>>) dst(%arg8 : memref<20480xi32, #tpu.memory_space<vmem>>)
    %barrier3A = arith.constant 0 : index
    tpu.barrier barrier_id(%barrier3A)
    %dma_start3A_65 = arith.constant 0 : i32
    %dma_start3A_66 = arith.constant 0 : i32
    %dma_start3A_67 = arith.constant 0 : i32
    %dma_start3A_68 = arith.constant 0 : i32
    %dma_start3A_69 = tpu.memref_slice %arg9[%dma_start3A_65, %dma_start3A_67, %dma_start3A_68] : memref<3x512x32xf32, #tpu.memory_space<vmem>> -> memref<1x512x32xf32, #tpu.memory_space<vmem>>
    %dma_start3A_70 = tpu.memref_squeeze %dma_start3A_69 : memref<1x512x32xf32, #tpu.memory_space<vmem>> -> memref<512x32xf32, #tpu.memory_space<vmem>>
    %dma_start3A_71 = arith.constant 0 : i32
    %dma_start3A_72 = tpu.memref_slice %arg7[%dma_start3A_71] : memref<20992xi32, #tpu.memory_space<vmem>> -> memref<512xi32, #tpu.memory_space<vmem>>
    %dma_start3A_73 = arith.constant 0 : i32
    %dma_start3A_74 = arith.constant 0 : i32
    %dma_start3A_75 = tpu.memref_slice %arg10[%dma_start3A_73, %dma_start3A_74] : memref<10000x32xf32, #tpu.memory_space<vmem_shared>> -> memref<10000x32xf32, #tpu.memory_space<vmem_shared>>
    %dma_start3A_76 = tpu.memref_slice %arg12[%dma_start3A_66] : memref<3x!tpu.dma_semaphore, #tpu.memory_space<semaphore_mem>> -> memref<1x!tpu.dma_semaphore, #tpu.memory_space<semaphore_mem>>
    %dma_start3A_77 = tpu.memref_squeeze %dma_start3A_76 : memref<1x!tpu.dma_semaphore, #tpu.memory_space<semaphore_mem>> -> memref<!tpu.dma_semaphore, #tpu.memory_space<semaphore_mem>>
    tpu.enqueue_indirect_dma source(%dma_start3A_75 : memref<10000x32xf32, #tpu.memory_space<vmem_shared>>) target(%dma_start3A_70 : memref<512x32xf32, #tpu.memory_space<vmem>>) offsets(%dma_start3A_72 : memref<512xi32, #tpu.memory_space<vmem>>) semaphore(%dma_start3A_77 : memref<!tpu.dma_semaphore, #tpu.memory_space<semaphore_mem>>)
    %scan3A = arith.constant 0 : i32
    %scan3A_78 = arith.constant 0 : i32
    %scan3A_79 = arith.constant 40 : i32
    %scan3A_80 = arith.addi %scan3A_78, %scan3A_79 : i32
    %scan3A_81 = arith.constant 1 : i32
    scf.for %scan3A_130 = %scan3A_78 to %scan3A_80 step %scan3A_81  : i32 {
      %jit3A = arith.constant 3 : i32
      %eq3A = arith.constant 0 : i32
      %eq3A_131 = arith.cmpi eq, %jit3A, %eq3A : i32
      %jit3A_132 = arith.constant 1 : i32
      %select_n3A = arith.select %eq3A_131, %jit3A_132, %jit3A : i32
      %rem3A = arith.remsi %scan3A_130, %select_n3A : i32
      %ne3A = arith.constant 0 : i32
      %ne3A_133 = arith.cmpi ne, %rem3A, %ne3A : i32
      %lt3A = arith.constant 0 : i32
      %lt3A_134 = arith.cmpi slt, %rem3A, %lt3A : i32
      %lt3A_135 = arith.constant 0 : i32
      %lt3A_136 = arith.cmpi slt, %select_n3A, %lt3A_135 : i32
      %ne3A_137 = arith.xori %lt3A_134, %lt3A_136 : i1
      %and3A = arith.andi %ne3A_137, %ne3A_133 : i1
      %add3A_138 = arith.addi %rem3A, %select_n3A : i32
      %select_n3A_139 = arith.select %and3A, %add3A_138, %rem3A : i32
      %add3A_140 = arith.constant 1 : i32
      %add3A_141 = arith.addi %scan3A_130, %add3A_140 : i32
      %jit3A_142 = arith.constant 3 : i32
      %eq3A_143 = arith.constant 0 : i32
      %eq3A_144 = arith.cmpi eq, %jit3A_142, %eq3A_143 : i32
      %jit3A_145 = arith.constant 1 : i32
      %select_n3A_146 = arith.select %eq3A_144, %jit3A_145, %jit3A_142 : i32
      %rem3A_147 = arith.remsi %add3A_141, %select_n3A_146 : i32
      %ne3A_148 = arith.constant 0 : i32
      %ne3A_149 = arith.cmpi ne, %rem3A_147, %ne3A_148 : i32
      %lt3A_150 = arith.constant 0 : i32
      %lt3A_151 = arith.cmpi slt, %rem3A_147, %lt3A_150 : i32
      %lt3A_152 = arith.constant 0 : i32
      %lt3A_153 = arith.cmpi slt, %select_n3A_146, %lt3A_152 : i32
      %ne3A_154 = arith.xori %lt3A_151, %lt3A_153 : i1
      %and3A_155 = arith.andi %ne3A_154, %ne3A_149 : i1
      %add3A_156 = arith.addi %rem3A_147, %select_n3A_146 : i32
      %select_n3A_157 = arith.select %and3A_155, %add3A_156, %rem3A_147 : i32
      %mul3A_158 = arith.constant 512 : i32
      %mul3A_159 = arith.muli %scan3A_130, %mul3A_158 : i32
      %dma_wait3A_160 = arith.constant 0 : i32
      %dma_wait3A_161 = arith.constant 0 : i32
      %dma_wait3A_162 = tpu.memref_slice %arg9[%select_n3A_139, %dma_wait3A_160, %dma_wait3A_161] : memref<3x512x32xf32, #tpu.memory_space<vmem>> -> memref<1x512x32xf32, #tpu.memory_space<vmem>>
      %dma_wait3A_163 = tpu.memref_squeeze %dma_wait3A_162 : memref<1x512x32xf32, #tpu.memory_space<vmem>> -> memref<512x32xf32, #tpu.memory_space<vmem>>
      %dma_wait3A_164 = tpu.memref_slice %arg7[%mul3A_159] : memref<20992xi32, #tpu.memory_space<vmem>> -> memref<512xi32, #tpu.memory_space<vmem>>
      %dma_wait3A_165 = arith.constant 0 : i32
      %dma_wait3A_166 = arith.constant 0 : i32
      %dma_wait3A_167 = tpu.memref_slice %arg10[%dma_wait3A_165, %dma_wait3A_166] : memref<10000x32xf32, #tpu.memory_space<vmem_shared>> -> memref<10000x32xf32, #tpu.memory_space<vmem_shared>>
      %dma_wait3A_168 = tpu.memref_slice %arg12[%select_n3A_139] : memref<3x!tpu.dma_semaphore, #tpu.memory_space<semaphore_mem>> -> memref<1x!tpu.dma_semaphore, #tpu.memory_space<semaphore_mem>>
      %dma_wait3A_169 = tpu.memref_squeeze %dma_wait3A_168 : memref<1x!tpu.dma_semaphore, #tpu.memory_space<semaphore_mem>> -> memref<!tpu.dma_semaphore, #tpu.memory_space<semaphore_mem>>
      tpu.wait_indirect_dma semaphore(%dma_wait3A_169 : memref<!tpu.dma_semaphore, #tpu.memory_space<semaphore_mem>>) src(%dma_wait3A_167 : memref<10000x32xf32, #tpu.memory_space<vmem_shared>>) dst(%dma_wait3A_163 : memref<512x32xf32, #tpu.memory_space<vmem>>)
      %ge3A = arith.constant 2 : i32
      %ge3A_170 = arith.cmpi sge, %scan3A_130, %ge3A : i32
      %convert_element_type3A = arith.extui %ge3A_170 : i1 to i32
      %cond3A = arith.constant 0 : i32
      %cond3A_171 = arith.cmpi ne, %convert_element_type3A, %cond3A : i32
      scf.if %cond3A_171 {
        %dma_wait3A_198 = arith.constant 0 : i32
        %dma_wait3A_199 = arith.constant 0 : i32
        %dma_wait3A_200 = tpu.memref_slice %arg9[%select_n3A_157, %dma_wait3A_198, %dma_wait3A_199] : memref<3x512x32xf32, #tpu.memory_space<vmem>> -> memref<1x512x32xf32, #tpu.memory_space<vmem>>
        %dma_wait3A_201 = tpu.memref_squeeze %dma_wait3A_200 : memref<1x512x32xf32, #tpu.memory_space<vmem>> -> memref<512x32xf32, #tpu.memory_space<vmem>>
        %dma_wait3A_202 = arith.constant 0 : i32
        %dma_wait3A_203 = tpu.memref_slice %arg8[%dma_wait3A_202] : memref<20480xi32, #tpu.memory_space<vmem>> -> memref<512xi32, #tpu.memory_space<vmem>>
        %dma_wait3A_204 = arith.constant 0 : i32
        %dma_wait3A_205 = arith.constant 0 : i32
        %dma_wait3A_206 = tpu.memref_slice %arg11[%dma_wait3A_204, %dma_wait3A_205] : memref<10112x32xf32, #tpu.memory_space<vmem_shared>> -> memref<10112x32xf32, #tpu.memory_space<vmem_shared>>
        %dma_wait3A_207 = tpu.memref_slice %arg13[%select_n3A_157] : memref<3x!tpu.dma_semaphore, #tpu.memory_space<semaphore_mem>> -> memref<1x!tpu.dma_semaphore, #tpu.memory_space<semaphore_mem>>
        %dma_wait3A_208 = tpu.memref_squeeze %dma_wait3A_207 : memref<1x!tpu.dma_semaphore, #tpu.memory_space<semaphore_mem>> -> memref<!tpu.dma_semaphore, #tpu.memory_space<semaphore_mem>>
        tpu.wait_indirect_dma semaphore(%dma_wait3A_208 : memref<!tpu.dma_semaphore, #tpu.memory_space<semaphore_mem>>) src(%dma_wait3A_201 : memref<512x32xf32, #tpu.memory_space<vmem>>) dst(%dma_wait3A_206 : memref<10112x32xf32, #tpu.memory_space<vmem_shared>>)
      } else {
      }
      %add3A_172 = arith.constant 1 : i32
      %add3A_173 = arith.addi %scan3A_130, %add3A_172 : i32
      %mul3A_174 = arith.constant 512 : i32
      %mul3A_175 = arith.muli %add3A_173, %mul3A_174 : i32
      %dma_start3A_176 = arith.constant 0 : i32
      %dma_start3A_177 = arith.constant 0 : i32
      %dma_start3A_178 = tpu.memref_slice %arg9[%select_n3A_157, %dma_start3A_176, %dma_start3A_177] : memref<3x512x32xf32, #tpu.memory_space<vmem>> -> memref<1x512x32xf32, #tpu.memory_space<vmem>>
      %dma_start3A_179 = tpu.memref_squeeze %dma_start3A_178 : memref<1x512x32xf32, #tpu.memory_space<vmem>> -> memref<512x32xf32, #tpu.memory_space<vmem>>
      %dma_start3A_180 = tpu.memref_slice %arg7[%mul3A_175] : memref<20992xi32, #tpu.memory_space<vmem>> -> memref<512xi32, #tpu.memory_space<vmem>>
      %dma_start3A_181 = arith.constant 0 : i32
      %dma_start3A_182 = arith.constant 0 : i32
      %dma_start3A_183 = tpu.memref_slice %arg10[%dma_start3A_181, %dma_start3A_182] : memref<10000x32xf32, #tpu.memory_space<vmem_shared>> -> memref<10000x32xf32, #tpu.memory_space<vmem_shared>>
      %dma_start3A_184 = tpu.memref_slice %arg12[%select_n3A_157] : memref<3x!tpu.dma_semaphore, #tpu.memory_space<semaphore_mem>> -> memref<1x!tpu.dma_semaphore, #tpu.memory_space<semaphore_mem>>
      %dma_start3A_185 = tpu.memref_squeeze %dma_start3A_184 : memref<1x!tpu.dma_semaphore, #tpu.memory_space<semaphore_mem>> -> memref<!tpu.dma_semaphore, #tpu.memory_space<semaphore_mem>>
      tpu.enqueue_indirect_dma source(%dma_start3A_183 : memref<10000x32xf32, #tpu.memory_space<vmem_shared>>) target(%dma_start3A_179 : memref<512x32xf32, #tpu.memory_space<vmem>>) offsets(%dma_start3A_180 : memref<512xi32, #tpu.memory_space<vmem>>) semaphore(%dma_start3A_185 : memref<!tpu.dma_semaphore, #tpu.memory_space<semaphore_mem>>)
      %mul3A_186 = arith.constant 512 : i32
      %mul3A_187 = arith.muli %scan3A_130, %mul3A_186 : i32
      %dma_start3A_188 = arith.constant 0 : i32
      %dma_start3A_189 = arith.constant 0 : i32
      %dma_start3A_190 = tpu.memref_slice %arg9[%select_n3A_139, %dma_start3A_188, %dma_start3A_189] : memref<3x512x32xf32, #tpu.memory_space<vmem>> -> memref<1x512x32xf32, #tpu.memory_space<vmem>>
      %dma_start3A_191 = tpu.memref_squeeze %dma_start3A_190 : memref<1x512x32xf32, #tpu.memory_space<vmem>> -> memref<512x32xf32, #tpu.memory_space<vmem>>
      %dma_start3A_192 = tpu.memref_slice %arg8[%mul3A_187] : memref<20480xi32, #tpu.memory_space<vmem>> -> memref<512xi32, #tpu.memory_space<vmem>>
      %dma_start3A_193 = arith.constant 0 : i32
      %dma_start3A_194 = arith.constant 0 : i32
      %dma_start3A_195 = tpu.memref_slice %arg11[%dma_start3A_193, %dma_start3A_194] : memref<10112x32xf32, #tpu.memory_space<vmem_shared>> -> memref<10112x32xf32, #tpu.memory_space<vmem_shared>>
      %dma_start3A_196 = tpu.memref_slice %arg13[%select_n3A_139] : memref<3x!tpu.dma_semaphore, #tpu.memory_space<semaphore_mem>> -> memref<1x!tpu.dma_semaphore, #tpu.memory_space<semaphore_mem>>
      %dma_start3A_197 = tpu.memref_squeeze %dma_start3A_196 : memref<1x!tpu.dma_semaphore, #tpu.memory_space<semaphore_mem>> -> memref<!tpu.dma_semaphore, #tpu.memory_space<semaphore_mem>>
      tpu.enqueue_indirect_dma source(%dma_start3A_191 : memref<512x32xf32, #tpu.memory_space<vmem>>) target(%dma_start3A_195 : memref<10112x32xf32, #tpu.memory_space<vmem_shared>>) offsets(%dma_start3A_192 : memref<512xi32, #tpu.memory_space<vmem>>) semaphore(%dma_start3A_197 : memref<!tpu.dma_semaphore, #tpu.memory_space<semaphore_mem>>) {add = true}
    }
    %scan3A_82 = arith.constant 40 : i32
    %dma_wait3A_83 = arith.constant 2 : i32
    %dma_wait3A_84 = arith.constant 2 : i32
    %dma_wait3A_85 = arith.constant 0 : i32
    %dma_wait3A_86 = arith.constant 0 : i32
    %dma_wait3A_87 = tpu.memref_slice %arg9[%dma_wait3A_83, %dma_wait3A_85, %dma_wait3A_86] : memref<3x512x32xf32, #tpu.memory_space<vmem>> -> memref<1x512x32xf32, #tpu.memory_space<vmem>>
    %dma_wait3A_88 = tpu.memref_squeeze %dma_wait3A_87 : memref<1x512x32xf32, #tpu.memory_space<vmem>> -> memref<512x32xf32, #tpu.memory_space<vmem>>
    %dma_wait3A_89 = arith.constant 0 : i32
    %dma_wait3A_90 = tpu.memref_slice %arg8[%dma_wait3A_89] : memref<20480xi32, #tpu.memory_space<vmem>> -> memref<512xi32, #tpu.memory_space<vmem>>
    %dma_wait3A_91 = arith.constant 0 : i32
    %dma_wait3A_92 = arith.constant 0 : i32
    %dma_wait3A_93 = tpu.memref_slice %arg11[%dma_wait3A_91, %dma_wait3A_92] : memref<10112x32xf32, #tpu.memory_space<vmem_shared>> -> memref<10112x32xf32, #tpu.memory_space<vmem_shared>>
    %dma_wait3A_94 = tpu.memref_slice %arg13[%dma_wait3A_84] : memref<3x!tpu.dma_semaphore, #tpu.memory_space<semaphore_mem>> -> memref<1x!tpu.dma_semaphore, #tpu.memory_space<semaphore_mem>>
    %dma_wait3A_95 = tpu.memref_squeeze %dma_wait3A_94 : memref<1x!tpu.dma_semaphore, #tpu.memory_space<semaphore_mem>> -> memref<!tpu.dma_semaphore, #tpu.memory_space<semaphore_mem>>
    tpu.wait_indirect_dma semaphore(%dma_wait3A_95 : memref<!tpu.dma_semaphore, #tpu.memory_space<semaphore_mem>>) src(%dma_wait3A_88 : memref<512x32xf32, #tpu.memory_space<vmem>>) dst(%dma_wait3A_93 : memref<10112x32xf32, #tpu.memory_space<vmem_shared>>)
    %dma_wait3A_96 = arith.constant 0 : i32
    %dma_wait3A_97 = arith.constant 0 : i32
    %dma_wait3A_98 = arith.constant 0 : i32
    %dma_wait3A_99 = arith.constant 0 : i32
    %dma_wait3A_100 = tpu.memref_slice %arg9[%dma_wait3A_96, %dma_wait3A_98, %dma_wait3A_99] : memref<3x512x32xf32, #tpu.memory_space<vmem>> -> memref<1x512x32xf32, #tpu.memory_space<vmem>>
    %dma_wait3A_101 = tpu.memref_squeeze %dma_wait3A_100 : memref<1x512x32xf32, #tpu.memory_space<vmem>> -> memref<512x32xf32, #tpu.memory_space<vmem>>
    %dma_wait3A_102 = arith.constant 0 : i32
    %dma_wait3A_103 = tpu.memref_slice %arg8[%dma_wait3A_102] : memref<20480xi32, #tpu.memory_space<vmem>> -> memref<512xi32, #tpu.memory_space<vmem>>
    %dma_wait3A_104 = arith.constant 0 : i32
    %dma_wait3A_105 = arith.constant 0 : i32
    %dma_wait3A_106 = tpu.memref_slice %arg11[%dma_wait3A_104, %dma_wait3A_105] : memref<10112x32xf32, #tpu.memory_space<vmem_shared>> -> memref<10112x32xf32, #tpu.memory_space<vmem_shared>>
    %dma_wait3A_107 = tpu.memref_slice %arg13[%dma_wait3A_97] : memref<3x!tpu.dma_semaphore, #tpu.memory_space<semaphore_mem>> -> memref<1x!tpu.dma_semaphore, #tpu.memory_space<semaphore_mem>>
    %dma_wait3A_108 = tpu.memref_squeeze %dma_wait3A_107 : memref<1x!tpu.dma_semaphore, #tpu.memory_space<semaphore_mem>> -> memref<!tpu.dma_semaphore, #tpu.memory_space<semaphore_mem>>
    tpu.wait_indirect_dma semaphore(%dma_wait3A_108 : memref<!tpu.dma_semaphore, #tpu.memory_space<semaphore_mem>>) src(%dma_wait3A_101 : memref<512x32xf32, #tpu.memory_space<vmem>>) dst(%dma_wait3A_106 : memref<10112x32xf32, #tpu.memory_space<vmem_shared>>)
    %dma_wait3A_109 = arith.constant 1 : i32
    %dma_wait3A_110 = arith.constant 1 : i32
    %dma_wait3A_111 = arith.constant 0 : i32
    %dma_wait3A_112 = arith.constant 0 : i32
    %dma_wait3A_113 = tpu.memref_slice %arg9[%dma_wait3A_109, %dma_wait3A_111, %dma_wait3A_112] : memref<3x512x32xf32, #tpu.memory_space<vmem>> -> memref<1x512x32xf32, #tpu.memory_space<vmem>>
    %dma_wait3A_114 = tpu.memref_squeeze %dma_wait3A_113 : memref<1x512x32xf32, #tpu.memory_space<vmem>> -> memref<512x32xf32, #tpu.memory_space<vmem>>
    %dma_wait3A_115 = arith.constant 0 : i32
    %dma_wait3A_116 = tpu.memref_slice %arg7[%dma_wait3A_115] : memref<20992xi32, #tpu.memory_space<vmem>> -> memref<512xi32, #tpu.memory_space<vmem>>
    %dma_wait3A_117 = arith.constant 0 : i32
    %dma_wait3A_118 = arith.constant 0 : i32
    %dma_wait3A_119 = tpu.memref_slice %arg10[%dma_wait3A_117, %dma_wait3A_118] : memref<10000x32xf32, #tpu.memory_space<vmem_shared>> -> memref<10000x32xf32, #tpu.memory_space<vmem_shared>>
    %dma_wait3A_120 = tpu.memref_slice %arg12[%dma_wait3A_110] : memref<3x!tpu.dma_semaphore, #tpu.memory_space<semaphore_mem>> -> memref<1x!tpu.dma_semaphore, #tpu.memory_space<semaphore_mem>>
    %dma_wait3A_121 = tpu.memref_squeeze %dma_wait3A_120 : memref<1x!tpu.dma_semaphore, #tpu.memory_space<semaphore_mem>> -> memref<!tpu.dma_semaphore, #tpu.memory_space<semaphore_mem>>
    tpu.wait_indirect_dma semaphore(%dma_wait3A_121 : memref<!tpu.dma_semaphore, #tpu.memory_space<semaphore_mem>>) src(%dma_wait3A_119 : memref<10000x32xf32, #tpu.memory_space<vmem_shared>>) dst(%dma_wait3A_114 : memref<512x32xf32, #tpu.memory_space<vmem>>)
    %barrier3A_122 = arith.constant 0 : index
    tpu.barrier barrier_id(%barrier3A_122)
    %mul3A_123 = arith.constant 632 : i32
    %mul3A_124 = arith.muli %arg1, %mul3A_123 : i32
    %mul3A_125 = arith.constant 10112 : i32
    %mul3A_126 = arith.muli %arg0, %mul3A_125 : i32
    %mul3A_127 = arith.constant 632 : i32
    %mul3A_128 = arith.muli %arg1, %mul3A_127 : i32
    %add3A_129 = arith.addi %mul3A_126, %mul3A_128 : i32
    "tpu.region"() ({
      %run_scoped3A = tpu.sem_alloc : memref<!tpu.dma_semaphore, #tpu.memory_space<semaphore_mem>>
      %dma_start3A_130 = arith.constant 0 : i32
      %dma_start3A_131 = tpu.memref_slice %arg6[%add3A_129, %dma_start3A_130] : memref<20224x32xf32, #tpu.memory_space<hbm>> -> memref<632x32xf32, #tpu.memory_space<hbm>>
      %dma_start3A_132 = arith.constant 0 : i32
      %dma_start3A_133 = tpu.memref_slice %arg11[%mul3A_124, %dma_start3A_132] : memref<10112x32xf32, #tpu.memory_space<vmem_shared>> -> memref<632x32xf32, #tpu.memory_space<vmem_shared>>
      tpu.enqueue_dma source(%dma_start3A_133 : memref<632x32xf32, #tpu.memory_space<vmem_shared>>) target(%dma_start3A_131 : memref<632x32xf32, #tpu.memory_space<hbm>>) target_semaphore(%run_scoped3A : memref<!tpu.dma_semaphore, #tpu.memory_space<semaphore_mem>>)
      %dma_wait3A_134 = arith.constant 0 : i32
      %dma_wait3A_135 = tpu.memref_slice %arg6[%add3A_129, %dma_wait3A_134] : memref<20224x32xf32, #tpu.memory_space<hbm>> -> memref<632x32xf32, #tpu.memory_space<hbm>>
      %dma_wait3A_136 = arith.constant 0 : i32
      %dma_wait3A_137 = tpu.memref_slice %arg11[%mul3A_124, %dma_wait3A_136] : memref<10112x32xf32, #tpu.memory_space<vmem_shared>> -> memref<632x32xf32, #tpu.memory_space<vmem_shared>>
      tpu.wait_dma2 semaphore(%run_scoped3A : memref<!tpu.dma_semaphore, #tpu.memory_space<semaphore_mem>>) src(%dma_wait3A_137 : memref<632x32xf32, #tpu.memory_space<vmem_shared>>) dst(%dma_wait3A_135 : memref<632x32xf32, #tpu.memory_space<hbm>>)
      tpu.yield
    }) : () -> ()
    return
  }
}

#map = affine_map<(d0, d1) -> (0, 0)>
module attributes {stable_mosaic.version = 14 : i64} {
  func.func @_sc_layer(%arg0: i32, %arg1: i32, %arg2: memref<20000x32xf32, #tpu.memory_space<hbm>>, %arg3: memref<16x20992xi32, #tpu.memory_space<hbm>>, %arg4: memref<16x20480xi32, #tpu.memory_space<hbm>>, %arg5: memref<632x32xf32, #tpu.memory_space<hbm>>, %arg6: memref<20224x32xf32, #tpu.memory_space<hbm>>, %arg7: memref<20992xi32, #tpu.memory_space<vmem>>, %arg8: memref<20480xi32, #tpu.memory_space<vmem>>, %arg9: memref<3x512x32xf32, #tpu.memory_space<vmem>>, %arg10: memref<10000x32xf32, #tpu.memory_space<vmem_shared>>, %arg11: memref<10112x32xf32, #tpu.memory_space<vmem_shared>>, %arg12: memref<3x!tpu.dma_semaphore, #tpu.memory_space<semaphore_mem>>, %arg13: memref<3x!tpu.dma_semaphore, #tpu.memory_space<semaphore_mem>>) attributes {dimension_semantics = [#tpu.dimension_semantics<core_parallel>, #tpu.dimension_semantics<subcore_parallel>], iteration_bounds = array<i64: 2, 16>, scalar_prefetch = 0 : i64, scratch_operands = 7 : i64, tpu.core_type = #tpu.core_type<sc_vector_subcore>, window_params = [{transform_indices = #map}, {transform_indices = #map}, {transform_indices = #map}, {transform_indices = #map}, {transform_indices = #map}]} {
    %mul3A = arith.constant 632 : i32
    %mul3A_0 = arith.muli %arg1, %mul3A : i32
    %dma_start3A = arith.constant 0 : i32
    %dma_start3A_1 = tpu.memref_slice %arg13[%dma_start3A] : memref<3x!tpu.dma_semaphore, #tpu.memory_space<semaphore_mem>> -> memref<1x!tpu.dma_semaphore, #tpu.memory_space<semaphore_mem>>
    %dma_start3A_2 = tpu.memref_squeeze %dma_start3A_1 : memref<1x!tpu.dma_semaphore, #tpu.memory_space<semaphore_mem>> -> memref<!tpu.dma_semaphore, #tpu.memory_space<semaphore_mem>>
    %dma_start3A_3 = arith.constant 0 : i32
    %dma_start3A_4 = tpu.memref_slice %arg11[%mul3A_0, %dma_start3A_3] : memref<10112x32xf32, #tpu.memory_space<vmem_shared>> -> memref<632x32xf32, #tpu.memory_space<vmem_shared>>
    tpu.enqueue_dma source(%arg5 : memref<632x32xf32, #tpu.memory_space<hbm>>) target(%dma_start3A_4 : memref<632x32xf32, #tpu.memory_space<vmem_shared>>) target_semaphore(%dma_start3A_2 : memref<!tpu.dma_semaphore, #tpu.memory_space<semaphore_mem>>)
    %mul3A_5 = arith.constant 10000 : i32
    %mul3A_6 = arith.muli %arg0, %mul3A_5 : i32
    %mul3A_7 = arith.constant 625 : i32
    %mul3A_8 = arith.muli %arg1, %mul3A_7 : i32
    %add3A = arith.addi %mul3A_6, %mul3A_8 : i32
    %mul3A_9 = arith.constant 625 : i32
    %mul3A_10 = arith.muli %arg1, %mul3A_9 : i32
    %dma_start3A_11 = arith.constant 1 : i32
    %dma_start3A_12 = tpu.memref_slice %arg13[%dma_start3A_11] : memref<3x!tpu.dma_semaphore, #tpu.memory_space<semaphore_mem>> -> memref<1x!tpu.dma_semaphore, #tpu.memory_space<semaphore_mem>>
    %dma_start3A_13 = tpu.memref_squeeze %dma_start3A_12 : memref<1x!tpu.dma_semaphore, #tpu.memory_space<semaphore_mem>> -> memref<!tpu.dma_semaphore, #tpu.memory_space<semaphore_mem>>
    %dma_start3A_14 = arith.constant 0 : i32
    %dma_start3A_15 = tpu.memref_slice %arg10[%mul3A_10, %dma_start3A_14] : memref<10000x32xf32, #tpu.memory_space<vmem_shared>> -> memref<625x32xf32, #tpu.memory_space<vmem_shared>>
    %dma_start3A_16 = arith.constant 0 : i32
    %dma_start3A_17 = tpu.memref_slice %arg2[%add3A, %dma_start3A_16] : memref<20000x32xf32, #tpu.memory_space<hbm>> -> memref<625x32xf32, #tpu.memory_space<hbm>>
    tpu.enqueue_dma source(%dma_start3A_17 : memref<625x32xf32, #tpu.memory_space<hbm>>) target(%dma_start3A_15 : memref<625x32xf32, #tpu.memory_space<vmem_shared>>) target_semaphore(%dma_start3A_13 : memref<!tpu.dma_semaphore, #tpu.memory_space<semaphore_mem>>)
    %dma_start3A_18 = arith.constant 0 : i32
    %dma_start3A_19 = arith.constant 0 : i32
    %dma_start3A_20 = tpu.memref_slice %arg3[%arg1, %dma_start3A_19] : memref<16x20992xi32, #tpu.memory_space<hbm>> -> memref<1x20992xi32, #tpu.memory_space<hbm>>
    %dma_start3A_21 = tpu.memref_squeeze %dma_start3A_20 : memref<1x20992xi32, #tpu.memory_space<hbm>> -> memref<20992xi32, #tpu.memory_space<hbm>>
    %dma_start3A_22 = tpu.memref_slice %arg12[%dma_start3A_18] : memref<3x!tpu.dma_semaphore, #tpu.memory_space<semaphore_mem>> -> memref<1x!tpu.dma_semaphore, #tpu.memory_space<semaphore_mem>>
    %dma_start3A_23 = tpu.memref_squeeze %dma_start3A_22 : memref<1x!tpu.dma_semaphore, #tpu.memory_space<semaphore_mem>> -> memref<!tpu.dma_semaphore, #tpu.memory_space<semaphore_mem>>
    %dma_start3A_24 = arith.constant 0 : i32
    %dma_start3A_25 = tpu.memref_slice %arg3[%arg1, %dma_start3A_24] : memref<16x20992xi32, #tpu.memory_space<hbm>> -> memref<1x20992xi32, #tpu.memory_space<hbm>>
    %dma_start3A_26 = tpu.memref_squeeze %dma_start3A_25 : memref<1x20992xi32, #tpu.memory_space<hbm>> -> memref<20992xi32, #tpu.memory_space<hbm>>
    tpu.enqueue_dma source(%dma_start3A_26 : memref<20992xi32, #tpu.memory_space<hbm>>) target(%arg7 : memref<20992xi32, #tpu.memory_space<vmem>>) target_semaphore(%dma_start3A_23 : memref<!tpu.dma_semaphore, #tpu.memory_space<semaphore_mem>>)
    %dma_start3A_27 = arith.constant 1 : i32
    %dma_start3A_28 = arith.constant 0 : i32
    %dma_start3A_29 = tpu.memref_slice %arg4[%arg1, %dma_start3A_28] : memref<16x20480xi32, #tpu.memory_space<hbm>> -> memref<1x20480xi32, #tpu.memory_space<hbm>>
    %dma_start3A_30 = tpu.memref_squeeze %dma_start3A_29 : memref<1x20480xi32, #tpu.memory_space<hbm>> -> memref<20480xi32, #tpu.memory_space<hbm>>
    %dma_start3A_31 = tpu.memref_slice %arg12[%dma_start3A_27] : memref<3x!tpu.dma_semaphore, #tpu.memory_space<semaphore_mem>> -> memref<1x!tpu.dma_semaphore, #tpu.memory_space<semaphore_mem>>
    %dma_start3A_32 = tpu.memref_squeeze %dma_start3A_31 : memref<1x!tpu.dma_semaphore, #tpu.memory_space<semaphore_mem>> -> memref<!tpu.dma_semaphore, #tpu.memory_space<semaphore_mem>>
    %dma_start3A_33 = arith.constant 0 : i32
    %dma_start3A_34 = tpu.memref_slice %arg4[%arg1, %dma_start3A_33] : memref<16x20480xi32, #tpu.memory_space<hbm>> -> memref<1x20480xi32, #tpu.memory_space<hbm>>
    %dma_start3A_35 = tpu.memref_squeeze %dma_start3A_34 : memref<1x20480xi32, #tpu.memory_space<hbm>> -> memref<20480xi32, #tpu.memory_space<hbm>>
    tpu.enqueue_dma source(%dma_start3A_35 : memref<20480xi32, #tpu.memory_space<hbm>>) target(%arg8 : memref<20480xi32, #tpu.memory_space<vmem>>) target_semaphore(%dma_start3A_32 : memref<!tpu.dma_semaphore, #tpu.memory_space<semaphore_mem>>)
    %dma_wait3A = arith.constant 0 : i32
    %dma_wait3A_36 = tpu.memref_slice %arg13[%dma_wait3A] : memref<3x!tpu.dma_semaphore, #tpu.memory_space<semaphore_mem>> -> memref<1x!tpu.dma_semaphore, #tpu.memory_space<semaphore_mem>>
    %dma_wait3A_37 = tpu.memref_squeeze %dma_wait3A_36 : memref<1x!tpu.dma_semaphore, #tpu.memory_space<semaphore_mem>> -> memref<!tpu.dma_semaphore, #tpu.memory_space<semaphore_mem>>
    %dma_wait3A_38 = arith.constant 0 : i32
    %dma_wait3A_39 = tpu.memref_slice %arg11[%mul3A_0, %dma_wait3A_38] : memref<10112x32xf32, #tpu.memory_space<vmem_shared>> -> memref<632x32xf32, #tpu.memory_space<vmem_shared>>
    tpu.wait_dma2 semaphore(%dma_wait3A_37 : memref<!tpu.dma_semaphore, #tpu.memory_space<semaphore_mem>>) src(%arg5 : memref<632x32xf32, #tpu.memory_space<hbm>>) dst(%dma_wait3A_39 : memref<632x32xf32, #tpu.memory_space<vmem_shared>>)
    %dma_wait3A_40 = arith.constant 1 : i32
    %dma_wait3A_41 = tpu.memref_slice %arg13[%dma_wait3A_40] : memref<3x!tpu.dma_semaphore, #tpu.memory_space<semaphore_mem>> -> memref<1x!tpu.dma_semaphore, #tpu.memory_space<semaphore_mem>>
    %dma_wait3A_42 = tpu.memref_squeeze %dma_wait3A_41 : memref<1x!tpu.dma_semaphore, #tpu.memory_space<semaphore_mem>> -> memref<!tpu.dma_semaphore, #tpu.memory_space<semaphore_mem>>
    %dma_wait3A_43 = arith.constant 0 : i32
    %dma_wait3A_44 = tpu.memref_slice %arg10[%mul3A_10, %dma_wait3A_43] : memref<10000x32xf32, #tpu.memory_space<vmem_shared>> -> memref<625x32xf32, #tpu.memory_space<vmem_shared>>
    %dma_wait3A_45 = arith.constant 0 : i32
    %dma_wait3A_46 = tpu.memref_slice %arg2[%add3A, %dma_wait3A_45] : memref<20000x32xf32, #tpu.memory_space<hbm>> -> memref<625x32xf32, #tpu.memory_space<hbm>>
    tpu.wait_dma2 semaphore(%dma_wait3A_42 : memref<!tpu.dma_semaphore, #tpu.memory_space<semaphore_mem>>) src(%dma_wait3A_46 : memref<625x32xf32, #tpu.memory_space<hbm>>) dst(%dma_wait3A_44 : memref<625x32xf32, #tpu.memory_space<vmem_shared>>)
    %dma_wait3A_47 = arith.constant 0 : i32
    %dma_wait3A_48 = arith.constant 0 : i32
    %dma_wait3A_49 = tpu.memref_slice %arg3[%arg1, %dma_wait3A_48] : memref<16x20992xi32, #tpu.memory_space<hbm>> -> memref<1x20992xi32, #tpu.memory_space<hbm>>
    %dma_wait3A_50 = tpu.memref_squeeze %dma_wait3A_49 : memref<1x20992xi32, #tpu.memory_space<hbm>> -> memref<20992xi32, #tpu.memory_space<hbm>>
    %dma_wait3A_51 = tpu.memref_slice %arg12[%dma_wait3A_47] : memref<3x!tpu.dma_semaphore, #tpu.memory_space<semaphore_mem>> -> memref<1x!tpu.dma_semaphore, #tpu.memory_space<semaphore_mem>>
    %dma_wait3A_52 = tpu.memref_squeeze %dma_wait3A_51 : memref<1x!tpu.dma_semaphore, #tpu.memory_space<semaphore_mem>> -> memref<!tpu.dma_semaphore, #tpu.memory_space<semaphore_mem>>
    %dma_wait3A_53 = arith.constant 0 : i32
    %dma_wait3A_54 = tpu.memref_slice %arg3[%arg1, %dma_wait3A_53] : memref<16x20992xi32, #tpu.memory_space<hbm>> -> memref<1x20992xi32, #tpu.memory_space<hbm>>
    %dma_wait3A_55 = tpu.memref_squeeze %dma_wait3A_54 : memref<1x20992xi32, #tpu.memory_space<hbm>> -> memref<20992xi32, #tpu.memory_space<hbm>>
    tpu.wait_dma2 semaphore(%dma_wait3A_52 : memref<!tpu.dma_semaphore, #tpu.memory_space<semaphore_mem>>) src(%dma_wait3A_55 : memref<20992xi32, #tpu.memory_space<hbm>>) dst(%arg7 : memref<20992xi32, #tpu.memory_space<vmem>>)
    %dma_wait3A_56 = arith.constant 1 : i32
    %dma_wait3A_57 = arith.constant 0 : i32
    %dma_wait3A_58 = tpu.memref_slice %arg4[%arg1, %dma_wait3A_57] : memref<16x20480xi32, #tpu.memory_space<hbm>> -> memref<1x20480xi32, #tpu.memory_space<hbm>>
    %dma_wait3A_59 = tpu.memref_squeeze %dma_wait3A_58 : memref<1x20480xi32, #tpu.memory_space<hbm>> -> memref<20480xi32, #tpu.memory_space<hbm>>
    %dma_wait3A_60 = tpu.memref_slice %arg12[%dma_wait3A_56] : memref<3x!tpu.dma_semaphore, #tpu.memory_space<semaphore_mem>> -> memref<1x!tpu.dma_semaphore, #tpu.memory_space<semaphore_mem>>
    %dma_wait3A_61 = tpu.memref_squeeze %dma_wait3A_60 : memref<1x!tpu.dma_semaphore, #tpu.memory_space<semaphore_mem>> -> memref<!tpu.dma_semaphore, #tpu.memory_space<semaphore_mem>>
    %dma_wait3A_62 = arith.constant 0 : i32
    %dma_wait3A_63 = tpu.memref_slice %arg4[%arg1, %dma_wait3A_62] : memref<16x20480xi32, #tpu.memory_space<hbm>> -> memref<1x20480xi32, #tpu.memory_space<hbm>>
    %dma_wait3A_64 = tpu.memref_squeeze %dma_wait3A_63 : memref<1x20480xi32, #tpu.memory_space<hbm>> -> memref<20480xi32, #tpu.memory_space<hbm>>
    tpu.wait_dma2 semaphore(%dma_wait3A_61 : memref<!tpu.dma_semaphore, #tpu.memory_space<semaphore_mem>>) src(%dma_wait3A_64 : memref<20480xi32, #tpu.memory_space<hbm>>) dst(%arg8 : memref<20480xi32, #tpu.memory_space<vmem>>)
    %barrier3A = arith.constant 0 : index
    tpu.barrier barrier_id(%barrier3A)
    %dma_start3A_65 = arith.constant 0 : i32
    %dma_start3A_66 = arith.constant 0 : i32
    %dma_start3A_67 = arith.constant 0 : i32
    %dma_start3A_68 = arith.constant 0 : i32
    %dma_start3A_69 = tpu.memref_slice %arg9[%dma_start3A_65, %dma_start3A_67, %dma_start3A_68] : memref<3x512x32xf32, #tpu.memory_space<vmem>> -> memref<1x512x32xf32, #tpu.memory_space<vmem>>
    %dma_start3A_70 = tpu.memref_squeeze %dma_start3A_69 : memref<1x512x32xf32, #tpu.memory_space<vmem>> -> memref<512x32xf32, #tpu.memory_space<vmem>>
    %dma_start3A_71 = arith.constant 0 : i32
    %dma_start3A_72 = tpu.memref_slice %arg7[%dma_start3A_71] : memref<20992xi32, #tpu.memory_space<vmem>> -> memref<512xi32, #tpu.memory_space<vmem>>
    %dma_start3A_73 = arith.constant 0 : i32
    %dma_start3A_74 = arith.constant 0 : i32
    %dma_start3A_75 = tpu.memref_slice %arg10[%dma_start3A_73, %dma_start3A_74] : memref<10000x32xf32, #tpu.memory_space<vmem_shared>> -> memref<10000x32xf32, #tpu.memory_space<vmem_shared>>
    %dma_start3A_76 = tpu.memref_slice %arg12[%dma_start3A_66] : memref<3x!tpu.dma_semaphore, #tpu.memory_space<semaphore_mem>> -> memref<1x!tpu.dma_semaphore, #tpu.memory_space<semaphore_mem>>
    %dma_start3A_77 = tpu.memref_squeeze %dma_start3A_76 : memref<1x!tpu.dma_semaphore, #tpu.memory_space<semaphore_mem>> -> memref<!tpu.dma_semaphore, #tpu.memory_space<semaphore_mem>>
    tpu.enqueue_indirect_dma source(%dma_start3A_75 : memref<10000x32xf32, #tpu.memory_space<vmem_shared>>) target(%dma_start3A_70 : memref<512x32xf32, #tpu.memory_space<vmem>>) offsets(%dma_start3A_72 : memref<512xi32, #tpu.memory_space<vmem>>) semaphore(%dma_start3A_77 : memref<!tpu.dma_semaphore, #tpu.memory_space<semaphore_mem>>)
    %scan3A = arith.constant 0 : i32
    %scan3A_78 = arith.constant 0 : i32
    %scan3A_79 = arith.constant 40 : i32
    %scan3A_80 = arith.addi %scan3A_78, %scan3A_79 : i32
    %scan3A_81 = arith.constant 1 : i32
    scf.for %scan3A_130 = %scan3A_78 to %scan3A_80 step %scan3A_81  : i32 {
      %jit3A = arith.constant 3 : i32
      %eq3A = arith.constant 0 : i32
      %eq3A_131 = arith.cmpi eq, %jit3A, %eq3A : i32
      %jit3A_132 = arith.constant 1 : i32
      %select_n3A = arith.select %eq3A_131, %jit3A_132, %jit3A : i32
      %rem3A = arith.remsi %scan3A_130, %select_n3A : i32
      %ne3A = arith.constant 0 : i32
      %ne3A_133 = arith.cmpi ne, %rem3A, %ne3A : i32
      %lt3A = arith.constant 0 : i32
      %lt3A_134 = arith.cmpi slt, %rem3A, %lt3A : i32
      %lt3A_135 = arith.constant 0 : i32
      %lt3A_136 = arith.cmpi slt, %select_n3A, %lt3A_135 : i32
      %ne3A_137 = arith.xori %lt3A_134, %lt3A_136 : i1
      %and3A = arith.andi %ne3A_137, %ne3A_133 : i1
      %add3A_138 = arith.addi %rem3A, %select_n3A : i32
      %select_n3A_139 = arith.select %and3A, %add3A_138, %rem3A : i32
      %add3A_140 = arith.constant 1 : i32
      %add3A_141 = arith.addi %scan3A_130, %add3A_140 : i32
      %jit3A_142 = arith.constant 3 : i32
      %eq3A_143 = arith.constant 0 : i32
      %eq3A_144 = arith.cmpi eq, %jit3A_142, %eq3A_143 : i32
      %jit3A_145 = arith.constant 1 : i32
      %select_n3A_146 = arith.select %eq3A_144, %jit3A_145, %jit3A_142 : i32
      %rem3A_147 = arith.remsi %add3A_141, %select_n3A_146 : i32
      %ne3A_148 = arith.constant 0 : i32
      %ne3A_149 = arith.cmpi ne, %rem3A_147, %ne3A_148 : i32
      %lt3A_150 = arith.constant 0 : i32
      %lt3A_151 = arith.cmpi slt, %rem3A_147, %lt3A_150 : i32
      %lt3A_152 = arith.constant 0 : i32
      %lt3A_153 = arith.cmpi slt, %select_n3A_146, %lt3A_152 : i32
      %ne3A_154 = arith.xori %lt3A_151, %lt3A_153 : i1
      %and3A_155 = arith.andi %ne3A_154, %ne3A_149 : i1
      %add3A_156 = arith.addi %rem3A_147, %select_n3A_146 : i32
      %select_n3A_157 = arith.select %and3A_155, %add3A_156, %rem3A_147 : i32
      %mul3A_158 = arith.constant 512 : i32
      %mul3A_159 = arith.muli %scan3A_130, %mul3A_158 : i32
      %dma_wait3A_160 = arith.constant 0 : i32
      %dma_wait3A_161 = arith.constant 0 : i32
      %dma_wait3A_162 = tpu.memref_slice %arg9[%select_n3A_139, %dma_wait3A_160, %dma_wait3A_161] : memref<3x512x32xf32, #tpu.memory_space<vmem>> -> memref<1x512x32xf32, #tpu.memory_space<vmem>>
      %dma_wait3A_163 = tpu.memref_squeeze %dma_wait3A_162 : memref<1x512x32xf32, #tpu.memory_space<vmem>> -> memref<512x32xf32, #tpu.memory_space<vmem>>
      %dma_wait3A_164 = tpu.memref_slice %arg7[%mul3A_159] : memref<20992xi32, #tpu.memory_space<vmem>> -> memref<512xi32, #tpu.memory_space<vmem>>
      %dma_wait3A_165 = arith.constant 0 : i32
      %dma_wait3A_166 = arith.constant 0 : i32
      %dma_wait3A_167 = tpu.memref_slice %arg10[%dma_wait3A_165, %dma_wait3A_166] : memref<10000x32xf32, #tpu.memory_space<vmem_shared>> -> memref<10000x32xf32, #tpu.memory_space<vmem_shared>>
      %dma_wait3A_168 = tpu.memref_slice %arg12[%select_n3A_139] : memref<3x!tpu.dma_semaphore, #tpu.memory_space<semaphore_mem>> -> memref<1x!tpu.dma_semaphore, #tpu.memory_space<semaphore_mem>>
      %dma_wait3A_169 = tpu.memref_squeeze %dma_wait3A_168 : memref<1x!tpu.dma_semaphore, #tpu.memory_space<semaphore_mem>> -> memref<!tpu.dma_semaphore, #tpu.memory_space<semaphore_mem>>
      tpu.wait_indirect_dma semaphore(%dma_wait3A_169 : memref<!tpu.dma_semaphore, #tpu.memory_space<semaphore_mem>>) src(%dma_wait3A_167 : memref<10000x32xf32, #tpu.memory_space<vmem_shared>>) dst(%dma_wait3A_163 : memref<512x32xf32, #tpu.memory_space<vmem>>)
      %ge3A = arith.constant 2 : i32
      %ge3A_170 = arith.cmpi sge, %scan3A_130, %ge3A : i32
      %convert_element_type3A = arith.extui %ge3A_170 : i1 to i32
      %cond3A = arith.constant 0 : i32
      %cond3A_171 = arith.cmpi ne, %convert_element_type3A, %cond3A : i32
      scf.if %cond3A_171 {
        %dma_wait3A_198 = arith.constant 0 : i32
        %dma_wait3A_199 = arith.constant 0 : i32
        %dma_wait3A_200 = tpu.memref_slice %arg9[%select_n3A_157, %dma_wait3A_198, %dma_wait3A_199] : memref<3x512x32xf32, #tpu.memory_space<vmem>> -> memref<1x512x32xf32, #tpu.memory_space<vmem>>
        %dma_wait3A_201 = tpu.memref_squeeze %dma_wait3A_200 : memref<1x512x32xf32, #tpu.memory_space<vmem>> -> memref<512x32xf32, #tpu.memory_space<vmem>>
        %dma_wait3A_202 = arith.constant 0 : i32
        %dma_wait3A_203 = tpu.memref_slice %arg8[%dma_wait3A_202] : memref<20480xi32, #tpu.memory_space<vmem>> -> memref<512xi32, #tpu.memory_space<vmem>>
        %dma_wait3A_204 = arith.constant 0 : i32
        %dma_wait3A_205 = arith.constant 0 : i32
        %dma_wait3A_206 = tpu.memref_slice %arg11[%dma_wait3A_204, %dma_wait3A_205] : memref<10112x32xf32, #tpu.memory_space<vmem_shared>> -> memref<10112x32xf32, #tpu.memory_space<vmem_shared>>
        %dma_wait3A_207 = tpu.memref_slice %arg13[%select_n3A_157] : memref<3x!tpu.dma_semaphore, #tpu.memory_space<semaphore_mem>> -> memref<1x!tpu.dma_semaphore, #tpu.memory_space<semaphore_mem>>
        %dma_wait3A_208 = tpu.memref_squeeze %dma_wait3A_207 : memref<1x!tpu.dma_semaphore, #tpu.memory_space<semaphore_mem>> -> memref<!tpu.dma_semaphore, #tpu.memory_space<semaphore_mem>>
        tpu.wait_indirect_dma semaphore(%dma_wait3A_208 : memref<!tpu.dma_semaphore, #tpu.memory_space<semaphore_mem>>) src(%dma_wait3A_201 : memref<512x32xf32, #tpu.memory_space<vmem>>) dst(%dma_wait3A_206 : memref<10112x32xf32, #tpu.memory_space<vmem_shared>>)
      } else {
      }
      %add3A_172 = arith.constant 1 : i32
      %add3A_173 = arith.addi %scan3A_130, %add3A_172 : i32
      %mul3A_174 = arith.constant 512 : i32
      %mul3A_175 = arith.muli %add3A_173, %mul3A_174 : i32
      %dma_start3A_176 = arith.constant 0 : i32
      %dma_start3A_177 = arith.constant 0 : i32
      %dma_start3A_178 = tpu.memref_slice %arg9[%select_n3A_157, %dma_start3A_176, %dma_start3A_177] : memref<3x512x32xf32, #tpu.memory_space<vmem>> -> memref<1x512x32xf32, #tpu.memory_space<vmem>>
      %dma_start3A_179 = tpu.memref_squeeze %dma_start3A_178 : memref<1x512x32xf32, #tpu.memory_space<vmem>> -> memref<512x32xf32, #tpu.memory_space<vmem>>
      %dma_start3A_180 = tpu.memref_slice %arg7[%mul3A_175] : memref<20992xi32, #tpu.memory_space<vmem>> -> memref<512xi32, #tpu.memory_space<vmem>>
      %dma_start3A_181 = arith.constant 0 : i32
      %dma_start3A_182 = arith.constant 0 : i32
      %dma_start3A_183 = tpu.memref_slice %arg10[%dma_start3A_181, %dma_start3A_182] : memref<10000x32xf32, #tpu.memory_space<vmem_shared>> -> memref<10000x32xf32, #tpu.memory_space<vmem_shared>>
      %dma_start3A_184 = tpu.memref_slice %arg12[%select_n3A_157] : memref<3x!tpu.dma_semaphore, #tpu.memory_space<semaphore_mem>> -> memref<1x!tpu.dma_semaphore, #tpu.memory_space<semaphore_mem>>
      %dma_start3A_185 = tpu.memref_squeeze %dma_start3A_184 : memref<1x!tpu.dma_semaphore, #tpu.memory_space<semaphore_mem>> -> memref<!tpu.dma_semaphore, #tpu.memory_space<semaphore_mem>>
      tpu.enqueue_indirect_dma source(%dma_start3A_183 : memref<10000x32xf32, #tpu.memory_space<vmem_shared>>) target(%dma_start3A_179 : memref<512x32xf32, #tpu.memory_space<vmem>>) offsets(%dma_start3A_180 : memref<512xi32, #tpu.memory_space<vmem>>) semaphore(%dma_start3A_185 : memref<!tpu.dma_semaphore, #tpu.memory_space<semaphore_mem>>)
      %mul3A_186 = arith.constant 512 : i32
      %mul3A_187 = arith.muli %scan3A_130, %mul3A_186 : i32
      %dma_start3A_188 = arith.constant 0 : i32
      %dma_start3A_189 = arith.constant 0 : i32
      %dma_start3A_190 = tpu.memref_slice %arg9[%select_n3A_139, %dma_start3A_188, %dma_start3A_189] : memref<3x512x32xf32, #tpu.memory_space<vmem>> -> memref<1x512x32xf32, #tpu.memory_space<vmem>>
      %dma_start3A_191 = tpu.memref_squeeze %dma_start3A_190 : memref<1x512x32xf32, #tpu.memory_space<vmem>> -> memref<512x32xf32, #tpu.memory_space<vmem>>
      %dma_start3A_192 = tpu.memref_slice %arg8[%mul3A_187] : memref<20480xi32, #tpu.memory_space<vmem>> -> memref<512xi32, #tpu.memory_space<vmem>>
      %dma_start3A_193 = arith.constant 0 : i32
      %dma_start3A_194 = arith.constant 0 : i32
      %dma_start3A_195 = tpu.memref_slice %arg11[%dma_start3A_193, %dma_start3A_194] : memref<10112x32xf32, #tpu.memory_space<vmem_shared>> -> memref<10112x32xf32, #tpu.memory_space<vmem_shared>>
      %dma_start3A_196 = tpu.memref_slice %arg13[%select_n3A_139] : memref<3x!tpu.dma_semaphore, #tpu.memory_space<semaphore_mem>> -> memref<1x!tpu.dma_semaphore, #tpu.memory_space<semaphore_mem>>
      %dma_start3A_197 = tpu.memref_squeeze %dma_start3A_196 : memref<1x!tpu.dma_semaphore, #tpu.memory_space<semaphore_mem>> -> memref<!tpu.dma_semaphore, #tpu.memory_space<semaphore_mem>>
      tpu.enqueue_indirect_dma source(%dma_start3A_191 : memref<512x32xf32, #tpu.memory_space<vmem>>) target(%dma_start3A_195 : memref<10112x32xf32, #tpu.memory_space<vmem_shared>>) offsets(%dma_start3A_192 : memref<512xi32, #tpu.memory_space<vmem>>) semaphore(%dma_start3A_197 : memref<!tpu.dma_semaphore, #tpu.memory_space<semaphore_mem>>) {add = true}
    }
    %scan3A_82 = arith.constant 40 : i32
    %dma_wait3A_83 = arith.constant 2 : i32
    %dma_wait3A_84 = arith.constant 2 : i32
    %dma_wait3A_85 = arith.constant 0 : i32
    %dma_wait3A_86 = arith.constant 0 : i32
    %dma_wait3A_87 = tpu.memref_slice %arg9[%dma_wait3A_83, %dma_wait3A_85, %dma_wait3A_86] : memref<3x512x32xf32, #tpu.memory_space<vmem>> -> memref<1x512x32xf32, #tpu.memory_space<vmem>>
    %dma_wait3A_88 = tpu.memref_squeeze %dma_wait3A_87 : memref<1x512x32xf32, #tpu.memory_space<vmem>> -> memref<512x32xf32, #tpu.memory_space<vmem>>
    %dma_wait3A_89 = arith.constant 0 : i32
    %dma_wait3A_90 = tpu.memref_slice %arg8[%dma_wait3A_89] : memref<20480xi32, #tpu.memory_space<vmem>> -> memref<512xi32, #tpu.memory_space<vmem>>
    %dma_wait3A_91 = arith.constant 0 : i32
    %dma_wait3A_92 = arith.constant 0 : i32
    %dma_wait3A_93 = tpu.memref_slice %arg11[%dma_wait3A_91, %dma_wait3A_92] : memref<10112x32xf32, #tpu.memory_space<vmem_shared>> -> memref<10112x32xf32, #tpu.memory_space<vmem_shared>>
    %dma_wait3A_94 = tpu.memref_slice %arg13[%dma_wait3A_84] : memref<3x!tpu.dma_semaphore, #tpu.memory_space<semaphore_mem>> -> memref<1x!tpu.dma_semaphore, #tpu.memory_space<semaphore_mem>>
    %dma_wait3A_95 = tpu.memref_squeeze %dma_wait3A_94 : memref<1x!tpu.dma_semaphore, #tpu.memory_space<semaphore_mem>> -> memref<!tpu.dma_semaphore, #tpu.memory_space<semaphore_mem>>
    tpu.wait_indirect_dma semaphore(%dma_wait3A_95 : memref<!tpu.dma_semaphore, #tpu.memory_space<semaphore_mem>>) src(%dma_wait3A_88 : memref<512x32xf32, #tpu.memory_space<vmem>>) dst(%dma_wait3A_93 : memref<10112x32xf32, #tpu.memory_space<vmem_shared>>)
    %dma_wait3A_96 = arith.constant 0 : i32
    %dma_wait3A_97 = arith.constant 0 : i32
    %dma_wait3A_98 = arith.constant 0 : i32
    %dma_wait3A_99 = arith.constant 0 : i32
    %dma_wait3A_100 = tpu.memref_slice %arg9[%dma_wait3A_96, %dma_wait3A_98, %dma_wait3A_99] : memref<3x512x32xf32, #tpu.memory_space<vmem>> -> memref<1x512x32xf32, #tpu.memory_space<vmem>>
    %dma_wait3A_101 = tpu.memref_squeeze %dma_wait3A_100 : memref<1x512x32xf32, #tpu.memory_space<vmem>> -> memref<512x32xf32, #tpu.memory_space<vmem>>
    %dma_wait3A_102 = arith.constant 0 : i32
    %dma_wait3A_103 = tpu.memref_slice %arg8[%dma_wait3A_102] : memref<20480xi32, #tpu.memory_space<vmem>> -> memref<512xi32, #tpu.memory_space<vmem>>
    %dma_wait3A_104 = arith.constant 0 : i32
    %dma_wait3A_105 = arith.constant 0 : i32
    %dma_wait3A_106 = tpu.memref_slice %arg11[%dma_wait3A_104, %dma_wait3A_105] : memref<10112x32xf32, #tpu.memory_space<vmem_shared>> -> memref<10112x32xf32, #tpu.memory_space<vmem_shared>>
    %dma_wait3A_107 = tpu.memref_slice %arg13[%dma_wait3A_97] : memref<3x!tpu.dma_semaphore, #tpu.memory_space<semaphore_mem>> -> memref<1x!tpu.dma_semaphore, #tpu.memory_space<semaphore_mem>>
    %dma_wait3A_108 = tpu.memref_squeeze %dma_wait3A_107 : memref<1x!tpu.dma_semaphore, #tpu.memory_space<semaphore_mem>> -> memref<!tpu.dma_semaphore, #tpu.memory_space<semaphore_mem>>
    tpu.wait_indirect_dma semaphore(%dma_wait3A_108 : memref<!tpu.dma_semaphore, #tpu.memory_space<semaphore_mem>>) src(%dma_wait3A_101 : memref<512x32xf32, #tpu.memory_space<vmem>>) dst(%dma_wait3A_106 : memref<10112x32xf32, #tpu.memory_space<vmem_shared>>)
    %dma_wait3A_109 = arith.constant 1 : i32
    %dma_wait3A_110 = arith.constant 1 : i32
    %dma_wait3A_111 = arith.constant 0 : i32
    %dma_wait3A_112 = arith.constant 0 : i32
    %dma_wait3A_113 = tpu.memref_slice %arg9[%dma_wait3A_109, %dma_wait3A_111, %dma_wait3A_112] : memref<3x512x32xf32, #tpu.memory_space<vmem>> -> memref<1x512x32xf32, #tpu.memory_space<vmem>>
    %dma_wait3A_114 = tpu.memref_squeeze %dma_wait3A_113 : memref<1x512x32xf32, #tpu.memory_space<vmem>> -> memref<512x32xf32, #tpu.memory_space<vmem>>
    %dma_wait3A_115 = arith.constant 0 : i32
    %dma_wait3A_116 = tpu.memref_slice %arg7[%dma_wait3A_115] : memref<20992xi32, #tpu.memory_space<vmem>> -> memref<512xi32, #tpu.memory_space<vmem>>
    %dma_wait3A_117 = arith.constant 0 : i32
    %dma_wait3A_118 = arith.constant 0 : i32
    %dma_wait3A_119 = tpu.memref_slice %arg10[%dma_wait3A_117, %dma_wait3A_118] : memref<10000x32xf32, #tpu.memory_space<vmem_shared>> -> memref<10000x32xf32, #tpu.memory_space<vmem_shared>>
    %dma_wait3A_120 = tpu.memref_slice %arg12[%dma_wait3A_110] : memref<3x!tpu.dma_semaphore, #tpu.memory_space<semaphore_mem>> -> memref<1x!tpu.dma_semaphore, #tpu.memory_space<semaphore_mem>>
    %dma_wait3A_121 = tpu.memref_squeeze %dma_wait3A_120 : memref<1x!tpu.dma_semaphore, #tpu.memory_space<semaphore_mem>> -> memref<!tpu.dma_semaphore, #tpu.memory_space<semaphore_mem>>
    tpu.wait_indirect_dma semaphore(%dma_wait3A_121 : memref<!tpu.dma_semaphore, #tpu.memory_space<semaphore_mem>>) src(%dma_wait3A_119 : memref<10000x32xf32, #tpu.memory_space<vmem_shared>>) dst(%dma_wait3A_114 : memref<512x32xf32, #tpu.memory_space<vmem>>)
    %barrier3A_122 = arith.constant 0 : index
    tpu.barrier barrier_id(%barrier3A_122)
    %mul3A_123 = arith.constant 632 : i32
    %mul3A_124 = arith.muli %arg1, %mul3A_123 : i32
    %mul3A_125 = arith.constant 10112 : i32
    %mul3A_126 = arith.muli %arg0, %mul3A_125 : i32
    %mul3A_127 = arith.constant 632 : i32
    %mul3A_128 = arith.muli %arg1, %mul3A_127 : i32
    %add3A_129 = arith.addi %mul3A_126, %mul3A_128 : i32
    "tpu.region"() ({
      %run_scoped3A = tpu.sem_alloc : memref<!tpu.dma_semaphore, #tpu.memory_space<semaphore_mem>>
      %dma_start3A_130 = arith.constant 0 : i32
      %dma_start3A_131 = tpu.memref_slice %arg6[%add3A_129, %dma_start3A_130] : memref<20224x32xf32, #tpu.memory_space<hbm>> -> memref<632x32xf32, #tpu.memory_space<hbm>>
      %dma_start3A_132 = arith.constant 0 : i32
      %dma_start3A_133 = tpu.memref_slice %arg11[%mul3A_124, %dma_start3A_132] : memref<10112x32xf32, #tpu.memory_space<vmem_shared>> -> memref<632x32xf32, #tpu.memory_space<vmem_shared>>
      tpu.enqueue_dma source(%dma_start3A_133 : memref<632x32xf32, #tpu.memory_space<vmem_shared>>) target(%dma_start3A_131 : memref<632x32xf32, #tpu.memory_space<hbm>>) target_semaphore(%run_scoped3A : memref<!tpu.dma_semaphore, #tpu.memory_space<semaphore_mem>>)
      %dma_wait3A_134 = arith.constant 0 : i32
      %dma_wait3A_135 = tpu.memref_slice %arg6[%add3A_129, %dma_wait3A_134] : memref<20224x32xf32, #tpu.memory_space<hbm>> -> memref<632x32xf32, #tpu.memory_space<hbm>>
      %dma_wait3A_136 = arith.constant 0 : i32
      %dma_wait3A_137 = tpu.memref_slice %arg11[%mul3A_124, %dma_wait3A_136] : memref<10112x32xf32, #tpu.memory_space<vmem_shared>> -> memref<632x32xf32, #tpu.memory_space<vmem_shared>>
      tpu.wait_dma2 semaphore(%run_scoped3A : memref<!tpu.dma_semaphore, #tpu.memory_space<semaphore_mem>>) src(%dma_wait3A_137 : memref<632x32xf32, #tpu.memory_space<vmem_shared>>) dst(%dma_wait3A_135 : memref<632x32xf32, #tpu.memory_space<hbm>>)
      tpu.yield
    }) : () -> ()
    return
  }
}

module attributes {stable_mosaic.version = 14 : i64} {
  func.func @_tc_in_body(%arg0: memref<10000x128xf32, #tpu.memory_space<vmem>>, %arg1: memref<128x64xf32, #tpu.memory_space<vmem>>, %arg2: memref<1x64xf32, #tpu.memory_space<vmem>>, %arg3: memref<20000x32xf32, #tpu.memory_space<vmem>>) attributes {dimension_semantics = [], scalar_prefetch = 0 : i64, scratch_operands = 0 : i64, tpu.core_type = #tpu.core_type<tc>} {
    %get3A = arith.constant 0 : index
    %get3A_0 = arith.constant 0 : index
    %get3A_1 = vector.load %arg0[%get3A, %get3A_0] : memref<10000x128xf32, #tpu.memory_space<vmem>>, vector<10000x128xf32>
    %get3A_2 = arith.constant 0 : index
    %get3A_3 = arith.constant 0 : index
    %get3A_4 = vector.load %arg1[%get3A_2, %get3A_3] : memref<128x64xf32, #tpu.memory_space<vmem>>, vector<128x64xf32>
    %dot_general3A = arith.constant dense<0.000000e+00> : vector<10000x64xf32>
    %dot_general3A_5 = tpu.matmul %get3A_1, %get3A_4, %dot_general3A {dimension_numbers = #tpu.dot_dimension_numbers<[1], [0], [0], [1], [0, 0, 1, 1], [], []>, transpose_lhs_hint = false} : vector<10000x128xf32>, vector<128x64xf32>, vector<10000x64xf32> -> vector<10000x64xf32>
    %get3A_6 = arith.constant 0 : index
    %get3A_7 = arith.constant 0 : index
    %get3A_8 = vector.load %arg2[%get3A_6, %get3A_7] : memref<1x64xf32, #tpu.memory_space<vmem>>, vector<1x64xf32>
    %add3A = vector.broadcast %get3A_8 : vector<1x64xf32> to vector<10000x64xf32>
    %add3A_9 = arith.addf %dot_general3A_5, %add3A : vector<10000x64xf32>
    %slice3A = vector.extract_strided_slice %add3A_9 {offsets = [0, 0], sizes = [10000, 32], strides = [1, 1]} : vector<10000x64xf32> to vector<10000x32xf32>
    %swap3A = arith.constant 0 : index
    %swap3A_10 = arith.constant 0 : index
    %swap3A_11 = vector.load %arg3[%swap3A, %swap3A_10] : memref<20000x32xf32, #tpu.memory_space<vmem>>, vector<10000x32xf32>
    tpu.vector_store %arg3[%swap3A, %swap3A_10], %slice3A {strides = array<i32>} : memref<20000x32xf32, #tpu.memory_space<vmem>>, vector<10000x32xf32>,
    %slice3A_12 = vector.extract_strided_slice %add3A_9 {offsets = [0, 32], sizes = [10000, 32], strides = [1, 1]} : vector<10000x64xf32> to vector<10000x32xf32>
    %swap3A_13 = arith.constant 10000 : index
    %swap3A_14 = arith.constant 0 : index
    %swap3A_15 = vector.load %arg3[%swap3A_13, %swap3A_14] : memref<20000x32xf32, #tpu.memory_space<vmem>>, vector<10000x32xf32>
    tpu.vector_store %arg3[%swap3A_13, %swap3A_14], %slice3A_12 {strides = array<i32>} : memref<20000x32xf32, #tpu.memory_space<vmem>>, vector<10000x32xf32>,
    return
  }
}

module attributes {stable_mosaic.version = 14 : i64} {
  func.func @_tc_update_body(%arg0: memref<20000x32xf32, #tpu.memory_space<vmem>>, %arg1: memref<20224x32xf32, #tpu.memory_space<vmem>>, %arg2: memref<128x64xf32, #tpu.memory_space<vmem>>, %arg3: memref<1x64xf32, #tpu.memory_space<vmem>>, %arg4: memref<20000x32xf32, #tpu.memory_space<vmem>>) attributes {dimension_semantics = [], scalar_prefetch = 0 : i64, scratch_operands = 0 : i64, tpu.core_type = #tpu.core_type<tc>} {
    %get3A = arith.constant 0 : index
    %get3A_0 = arith.constant 0 : index
    %get3A_1 = vector.load %arg0[%get3A, %get3A_0] : memref<20000x32xf32, #tpu.memory_space<vmem>>, vector<10000x32xf32>
    %get3A_2 = arith.constant 10000 : index
    %get3A_3 = arith.constant 0 : index
    %get3A_4 = vector.load %arg0[%get3A_2, %get3A_3] : memref<20000x32xf32, #tpu.memory_space<vmem>>, vector<10000x32xf32>
    %concatenate3A = tpu.concatenate %get3A_1, %get3A_4 in 1 : vector<10000x32xf32>, vector<10000x32xf32> -> vector<10000x64xf32>
    %get3A_5 = arith.constant 0 : index
    %get3A_6 = arith.constant 0 : index
    %get3A_7 = vector.load %arg1[%get3A_5, %get3A_6] : memref<20224x32xf32, #tpu.memory_space<vmem>>, vector<10000x32xf32>
    %get3A_8 = arith.constant 10112 : index
    %get3A_9 = arith.constant 0 : index
    %get3A_10 = vector.load %arg1[%get3A_8, %get3A_9] : memref<20224x32xf32, #tpu.memory_space<vmem>>, vector<10000x32xf32>
    %concatenate3A_11 = tpu.concatenate %get3A_7, %get3A_10 in 1 : vector<10000x32xf32>, vector<10000x32xf32> -> vector<10000x64xf32>
    %jit3A = arith.constant 0.000000e+00 : f32
    %jit3A_12 = arith.constant 1.000000e+01 : f32
    %max3A = vector.broadcast %jit3A : f32 to vector<10000x64xf32>
    %max3A_13 = arith.maximumf %max3A, %concatenate3A_11 : vector<10000x64xf32>
    %min3A = vector.broadcast %jit3A_12 : f32 to vector<10000x64xf32>
    %min3A_14 = arith.minimumf %min3A, %max3A_13 : vector<10000x64xf32>
    %get3A_15 = arith.constant 0 : index
    %get3A_16 = arith.constant 0 : index
    %get3A_17 = vector.load %arg2[%get3A_15, %get3A_16] : memref<128x64xf32, #tpu.memory_space<vmem>>, vector<64x64xf32>
    %dot_general3A = arith.constant dense<0.000000e+00> : vector<10000x64xf32>
    %dot_general3A_18 = tpu.matmul %concatenate3A, %get3A_17, %dot_general3A {dimension_numbers = #tpu.dot_dimension_numbers<[1], [0], [0], [1], [0, 0, 1, 1], [], []>, transpose_lhs_hint = false} : vector<10000x64xf32>, vector<64x64xf32>, vector<10000x64xf32> -> vector<10000x64xf32>
    %get3A_19 = arith.constant 64 : index
    %get3A_20 = arith.constant 0 : index
    %get3A_21 = vector.load %arg2[%get3A_19, %get3A_20] : memref<128x64xf32, #tpu.memory_space<vmem>>, vector<64x64xf32>
    %dot_general3A_22 = arith.constant dense<0.000000e+00> : vector<10000x64xf32>
    %dot_general3A_23 = tpu.matmul %min3A_14, %get3A_21, %dot_general3A_22 {dimension_numbers = #tpu.dot_dimension_numbers<[1], [0], [0], [1], [0, 0, 1, 1], [], []>, transpose_lhs_hint = false} : vector<10000x64xf32>, vector<64x64xf32>, vector<10000x64xf32> -> vector<10000x64xf32>
    %add3A = arith.addf %dot_general3A_18, %dot_general3A_23 : vector<10000x64xf32>
    %get3A_24 = arith.constant 0 : index
    %get3A_25 = arith.constant 0 : index
    %get3A_26 = vector.load %arg3[%get3A_24, %get3A_25] : memref<1x64xf32, #tpu.memory_space<vmem>>, vector<1x64xf32>
    %add3A_27 = vector.broadcast %get3A_26 : vector<1x64xf32> to vector<10000x64xf32>
    %add3A_28 = arith.addf %add3A, %add3A_27 : vector<10000x64xf32>
    %slice3A = vector.extract_strided_slice %add3A_28 {offsets = [0, 0], sizes = [10000, 32], strides = [1, 1]} : vector<10000x64xf32> to vector<10000x32xf32>
    %swap3A = arith.constant 0 : index
    %swap3A_29 = arith.constant 0 : index
    %swap3A_30 = vector.load %arg4[%swap3A, %swap3A_29] : memref<20000x32xf32, #tpu.memory_space<vmem>>, vector<10000x32xf32>
    tpu.vector_store %arg4[%swap3A, %swap3A_29], %slice3A {strides = array<i32>} : memref<20000x32xf32, #tpu.memory_space<vmem>>, vector<10000x32xf32>,
    %slice3A_31 = vector.extract_strided_slice %add3A_28 {offsets = [0, 32], sizes = [10000, 32], strides = [1, 1]} : vector<10000x64xf32> to vector<10000x32xf32>
    %swap3A_32 = arith.constant 10000 : index
    %swap3A_33 = arith.constant 0 : index
    %swap3A_34 = vector.load %arg4[%swap3A_32, %swap3A_33] : memref<20000x32xf32, #tpu.memory_space<vmem>>, vector<10000x32xf32>
    tpu.vector_store %arg4[%swap3A_32, %swap3A_33], %slice3A_31 {strides = array<i32>} : memref<20000x32xf32, #tpu.memory_space<vmem>>, vector<10000x32xf32>,
    return
  }
}

module attributes {stable_mosaic.version = 14 : i64} {
  func.func @_tc_finish_body(%arg0: memref<20000x32xf32, #tpu.memory_space<vmem>>, %arg1: memref<20224x32xf32, #tpu.memory_space<vmem>>, %arg2: memref<128x64xf32, #tpu.memory_space<vmem>>, %arg3: memref<1x64xf32, #tpu.memory_space<vmem>>, %arg4: memref<64x40xf32, #tpu.memory_space<vmem>>, %arg5: memref<1x40xf32, #tpu.memory_space<vmem>>, %arg6: memref<10000x40xf32, #tpu.memory_space<vmem>>) attributes {dimension_semantics = [], scalar_prefetch = 0 : i64, scratch_operands = 0 : i64, tpu.core_type = #tpu.core_type<tc>} {
    %get3A = arith.constant 0 : index
    %get3A_0 = arith.constant 0 : index
    %get3A_1 = vector.load %arg0[%get3A, %get3A_0] : memref<20000x32xf32, #tpu.memory_space<vmem>>, vector<10000x32xf32>
    %get3A_2 = arith.constant 10000 : index
    %get3A_3 = arith.constant 0 : index
    %get3A_4 = vector.load %arg0[%get3A_2, %get3A_3] : memref<20000x32xf32, #tpu.memory_space<vmem>>, vector<10000x32xf32>
    %concatenate3A = tpu.concatenate %get3A_1, %get3A_4 in 1 : vector<10000x32xf32>, vector<10000x32xf32> -> vector<10000x64xf32>
    %get3A_5 = arith.constant 0 : index
    %get3A_6 = arith.constant 0 : index
    %get3A_7 = vector.load %arg1[%get3A_5, %get3A_6] : memref<20224x32xf32, #tpu.memory_space<vmem>>, vector<10000x32xf32>
    %get3A_8 = arith.constant 10112 : index
    %get3A_9 = arith.constant 0 : index
    %get3A_10 = vector.load %arg1[%get3A_8, %get3A_9] : memref<20224x32xf32, #tpu.memory_space<vmem>>, vector<10000x32xf32>
    %concatenate3A_11 = tpu.concatenate %get3A_7, %get3A_10 in 1 : vector<10000x32xf32>, vector<10000x32xf32> -> vector<10000x64xf32>
    %jit3A = arith.constant 0.000000e+00 : f32
    %jit3A_12 = arith.constant 1.000000e+01 : f32
    %max3A = vector.broadcast %jit3A : f32 to vector<10000x64xf32>
    %max3A_13 = arith.maximumf %max3A, %concatenate3A_11 : vector<10000x64xf32>
    %min3A = vector.broadcast %jit3A_12 : f32 to vector<10000x64xf32>
    %min3A_14 = arith.minimumf %min3A, %max3A_13 : vector<10000x64xf32>
    %get3A_15 = arith.constant 0 : index
    %get3A_16 = arith.constant 0 : index
    %get3A_17 = vector.load %arg2[%get3A_15, %get3A_16] : memref<128x64xf32, #tpu.memory_space<vmem>>, vector<64x64xf32>
    %dot_general3A = arith.constant dense<0.000000e+00> : vector<10000x64xf32>
    %dot_general3A_18 = tpu.matmul %concatenate3A, %get3A_17, %dot_general3A {dimension_numbers = #tpu.dot_dimension_numbers<[1], [0], [0], [1], [0, 0, 1, 1], [], []>, transpose_lhs_hint = false} : vector<10000x64xf32>, vector<64x64xf32>, vector<10000x64xf32> -> vector<10000x64xf32>
    %get3A_19 = arith.constant 64 : index
    %get3A_20 = arith.constant 0 : index
    %get3A_21 = vector.load %arg2[%get3A_19, %get3A_20] : memref<128x64xf32, #tpu.memory_space<vmem>>, vector<64x64xf32>
    %dot_general3A_22 = arith.constant dense<0.000000e+00> : vector<10000x64xf32>
    %dot_general3A_23 = tpu.matmul %min3A_14, %get3A_21, %dot_general3A_22 {dimension_numbers = #tpu.dot_dimension_numbers<[1], [0], [0], [1], [0, 0, 1, 1], [], []>, transpose_lhs_hint = false} : vector<10000x64xf32>, vector<64x64xf32>, vector<10000x64xf32> -> vector<10000x64xf32>
    %add3A = arith.addf %dot_general3A_18, %dot_general3A_23 : vector<10000x64xf32>
    %get3A_24 = arith.constant 0 : index
    %get3A_25 = arith.constant 0 : index
    %get3A_26 = vector.load %arg3[%get3A_24, %get3A_25] : memref<1x64xf32, #tpu.memory_space<vmem>>, vector<1x64xf32>
    %add3A_27 = vector.broadcast %get3A_26 : vector<1x64xf32> to vector<10000x64xf32>
    %add3A_28 = arith.addf %add3A, %add3A_27 : vector<10000x64xf32>
    %get3A_29 = arith.constant 0 : index
    %get3A_30 = arith.constant 0 : index
    %get3A_31 = vector.load %arg4[%get3A_29, %get3A_30] : memref<64x40xf32, #tpu.memory_space<vmem>>, vector<64x40xf32>
    %dot_general3A_32 = arith.constant dense<0.000000e+00> : vector<10000x40xf32>
    %dot_general3A_33 = tpu.matmul %add3A_28, %get3A_31, %dot_general3A_32 {dimension_numbers = #tpu.dot_dimension_numbers<[1], [0], [0], [1], [0, 0, 1, 1], [], []>, transpose_lhs_hint = false} : vector<10000x64xf32>, vector<64x40xf32>, vector<10000x40xf32> -> vector<10000x40xf32>
    %get3A_34 = arith.constant 0 : index
    %get3A_35 = arith.constant 0 : index
    %get3A_36 = vector.load %arg5[%get3A_34, %get3A_35] : memref<1x40xf32, #tpu.memory_space<vmem>>, vector<1x40xf32>
    %add3A_37 = vector.broadcast %get3A_36 : vector<1x40xf32> to vector<10000x40xf32>
    %add3A_38 = arith.addf %dot_general3A_33, %add3A_37 : vector<10000x40xf32>
    %reduce_max3A = arith.constant dense<0xFF800000> : vector<10000xf32>
    %reduce_max3A_39 = vector.multi_reduction <maximumf>, %add3A_38, %reduce_max3A [1] : vector<10000x40xf32> to vector<10000xf32>
    %broadcast_in_dim3A = vector.shape_cast %reduce_max3A_39 : vector<10000xf32> to vector<10000x1xf32>
    %sub3A = vector.broadcast %broadcast_in_dim3A : vector<10000x1xf32> to vector<10000x40xf32>
    %sub3A_40 = arith.subf %add3A_38, %sub3A : vector<10000x40xf32>
    %exp3A = math.exp %sub3A_40 : vector<10000x40xf32>
    %reduce_sum3A = arith.constant dense<0.000000e+00> : vector<10000xf32>
    %reduce_sum3A_41 = vector.multi_reduction <add>, %exp3A, %reduce_sum3A [1] : vector<10000x40xf32> to vector<10000xf32>
    %broadcast_in_dim3A_42 = vector.shape_cast %reduce_sum3A_41 : vector<10000xf32> to vector<10000x1xf32>
    %log3A = math.log %broadcast_in_dim3A_42 : vector<10000x1xf32>
    %sub3A_43 = vector.broadcast %log3A : vector<10000x1xf32> to vector<10000x40xf32>
    %sub3A_44 = arith.subf %sub3A_40, %sub3A_43 : vector<10000x40xf32>
    %swap3A = arith.constant 0 : index
    %swap3A_45 = arith.constant 0 : index
    %swap3A_46 = vector.load %arg6[%swap3A, %swap3A_45] : memref<10000x40xf32, #tpu.memory_space<vmem>>, vector<10000x40xf32>
    tpu.vector_store %arg6[%swap3A, %swap3A_45], %sub3A_44 {strides = array<i32>} : memref<10000x40xf32, #tpu.memory_space<vmem>>, vector<10000x40xf32>,
    return
  }
}

</mosaic_0001>

<sc_bundles>
// kernel: kernel.10.cloned.1.call-start
scs
__scs_entry_jumppad:
0x0: {  	(pc) =	sbr.rel $0x88, $3  }
0x1: {  	(tag) =	ssettag $0x0;
	lr =	simm.s32 $0x1  }
0x2: {  	[smem:$0x3F97] =	sst lr;
	_ =	strace $0xD0000000  }
0x3: {  	_ = 	snop  }
0x4: {  	_ = 	snop  }
0x5: {  	_ = 	snop  }
0x6: {  	_ = 	snop  }
0x7: {  	_ = 	snop  }
__scs_overlays_trampoline_lowered:
0x8: {  	[smem:$0x3FA6] =	sst s0  }
0x9: {  	[smem:$0x3FA7] =	sst s1  }
0xa: {  	[smem:$0x3FA8] =	sst s2  }
0xb: {  	[smem:$0x3FA9] =	sst s3  }
0xc: {  	[smem:$0x3FAA] =	sst s4  }
0xd: {  	[smem:$0x3FAB] =	sst s5  }
0xe: {  	[smem:$0x3FAC] =	sst s6  }
0xf: {  	[smem:$0x3FAD] =	sst s7  }
0x10: {  	[smem:$0x3FAE] =	sst s8  }
0x11: {  	[smem:$0x3FAF] =	sst s9;
	s0 =	simm.s32 @!p0 $0x0  }
0x12: {  	s1 =	sld [smem:$0x3F95];
	s0 =	simm.s32 @p0 $0x1  }
0x13: {  	[smem:$0x3FB0] =	sst s0;
	s0 =	simm.s32 @!p1 $0x0  }
0x14: {  	s2 =	sld [smem:$0x3F94];
	s0 =	simm.s32 @p1 $0x1  }
0x15: {  	[smem:$0x3FB1] =	sst s0;
	s0 =	simm.s32 @!p2 $0x0  }
0x16: {  	s3 =	sld [smem:$0x3FDB];
	s0 =	simm.s32 @p2 $0x1  }
0x17: {  	s4 =	simm.s32 $0x1BF5;
	[smem:$0x3FB3] =	sst s0  }
0x18: {  	s0 =	sld [smem:$0x3F96];
	_ =	swait.ge [sflag:s4], $0x0  }
0x19: {  	s7 =	sld [smem:$0x3F97]  }
0x1a: {  	s8 =	sadd.s32 $0xFFFFE003, lr  }
0x1b: {  	s9 =	sadd.s32 $0xFFFFFEF7, lr;
	s5 =	simm.s32 $0xFFFFFFFF;
	p2 =	slt.u32 s8, $0xFFFFF086  }
0x1c: {  	p1 =	slt.u32 s9, $0xF7A;
	s5 =	simm.s32 @!p2 $0x0  }
0x1d: {  	s5 =	simm.s32 @p1 $0x1;
	p0 =	seq.s32 s7, s2  }
0x1e: {  	s7 =	smul.u32 @!p0 $0xF7A, s2;
	p2 =	seq.s32 @!p0 s5, $0x0  }
0x1f: {  	s9 =	smul.u32 $0xF7A, s1;
	s8 =	simm.s32 @!p0 $0x1BF5;
	p2 =	por !p2, p0  }
0x20: {  	[sflag:s8] =	ssyncset.s32 @!p0 $0xFFFFF086;
	s6 =	sadd.s32 @!p0 s3, s7;
	s7 =	simm.s32 @!p0 $0x108  }
0x21: {  	s3 =	sadd.s32 s3, s9;
	s6 =	sadd.s32 @!p0 $0x88, s6;
	s7 =	simm.s32 @p2 $0x1082  }
0x22: {  	[simem:s7], [sflag:s8] =	dma.local @!p0 [hbm:s6], $0xF7A  }
0x23: {  	s9 =	sor.u32 $0xD0000000, s2;
	s6 =	simm.s32 $0x108;
	_ =	swait.ge @!p0 [sflag:s8], $0x0  }
0x24: {  	s3 =	sadd.s32 $0x88, s3;
	s6 =	simm.s32 @!p1 $0x1082;
	[sflag:s4] =	ssyncset.s32 $0xFFFFF086  }
0x25: {  	[simem:s6], [sflag:s4] =	dma.local [hbm:s3], $0xF7A  }
0x26: {  	[smem:$0x3F97] =	sst s1;
	(tag) =	ssettag s2;
	_ =	strace s9  }
0x27: {  	s1 =	sld [smem:$0x3FA7]  }
0x28: {  	s2 =	sld [smem:$0x3FA8]  }
0x29: {  	s4 =	sld [smem:$0x3FAA]  }
0x2a: {  	p0 =	seq.s32 s5, $0x0;
	s5 =	sld [smem:$0x3FAB]  }
0x2b: {  	s6 =	sld [smem:$0x3FAC]  }
0x2c: {  	s7 =	sld [smem:$0x3FAD]  }
0x2d: {  	s3 =	simm.s32 $0x108;
	s8 =	sld [smem:$0x3FAE]  }
0x2e: {  	s3 =	simm.s32 @!p0 $0x1082;
	s9 =	sld [smem:$0x3FAF]  }
0x2f: {  	lr =	sadd.s32 s0, s3;
	s0 =	sld [smem:$0x3FA6]  }
0x30: {  	s3 =	sld [smem:$0x3FA9]  }
0x31: {  	[smem:$0x3FB2] =	sst s10  }
0x32: {  	s10 =	sld [smem:$0x3FB0];
	_ =	sdelay $0x3  }
0x33: {  	p0 =	seq.s32 s10, $0x1;
	s10 =	sld [smem:$0x3FB2];
	_ =	sdelay $0x3  }
0x34: {  	[smem:$0x3FB2] =	sst s10  }
0x35: {  	s10 =	sld [smem:$0x3FB1];
	_ =	sdelay $0x3  }
0x36: {  	p1 =	seq.s32 s10, $0x1;
	s10 =	sld [smem:$0x3FB2];
	_ =	sdelay $0x3  }
0x37: {  	[smem:$0x3FB2] =	sst s10  }
0x38: {  	s10 =	sld [smem:$0x3FB3]  }
0x39: {  	_ = 	snop;
	(pc) =	sbr.ind lr, $3  }
0x3a: {  	_ = 	snop  }
0x3b: {  	_ = 	snop  }
0x3c: {  	p2 =	seq.s32 s10, $0x1;
	s10 =	sld [smem:$0x3FB2]  }
0x3d: {  	_ =	shalt  }
0x3e: {  	_ =	shalt  }
0x3f: {  	_ =	shalt  }
0x40: {  	_ =	shalt  }
0x41: {  	_ =	shalt  }
0x42: {  	_ =	shalt  }
0x43: {  	_ =	shalt  }
0x44: {  	_ =	shalt  }
0x45: {  	_ =	shalt  }
0x46: {  	_ =	shalt  }
0x47: {  	_ =	shalt  }
0x48: {  	_ =	shalt  }
0x49: {  	_ =	shalt  }
0x4a: {  	_ =	shalt  }
0x4b: {  	_ =	shalt  }
0x4c: {  	_ =	shalt  }
0x4d: {  	_ =	shalt  }
0x4e: {  	_ =	shalt  }
0x4f: {  	_ =	shalt  }
0x50: {  	_ =	shalt  }
0x51: {  	_ =	shalt  }
0x52: {  	_ =	shalt  }
0x53: {  	_ =	shalt  }
0x54: {  	_ =	shalt  }
0x55: {  	_ =	shalt  }
0x56: {  	_ =	shalt  }
0x57: {  	_ =	shalt  }
0x58: {  	_ =	shalt  }
0x59: {  	_ =	shalt  }
0x5a: {  	_ =	shalt  }
0x5b: {  	_ =	shalt  }
0x5c: {  	_ =	shalt  }
0x5d: {  	_ =	shalt  }
0x5e: {  	_ =	shalt  }
0x5f: {  	_ =	shalt  }
0x60: {  	_ =	shalt  }
0x61: {  	_ =	shalt  }
0x62: {  	_ =	shalt  }
0x63: {  	_ =	shalt  }
0x64: {  	_ =	shalt  }
0x65: {  	_ =	shalt  }
0x66: {  	_ =	shalt  }
0x67: {  	_ =	shalt  }
0x68: {  	_ =	shalt  }
0x69: {  	_ =	shalt  }
0x6a: {  	_ =	shalt  }
0x6b: {  	_ =	shalt  }
0x6c: {  	_ =	shalt  }
0x6d: {  	_ =	shalt  }
0x6e: {  	_ =	shalt  }
0x6f: {  	_ =	shalt  }
0x70: {  	_ =	shalt  }
0x71: {  	_ =	shalt  }
0x72: {  	_ =	shalt  }
0x73: {  	_ =	shalt  }
0x74: {  	_ =	shalt  }
0x75: {  	_ =	shalt  }
0x76: {  	_ =	shalt  }
0x77: {  	_ =	shalt  }
0x78: {  	_ =	shalt  }
0x79: {  	_ =	shalt  }
0x7a: {  	_ =	shalt  }
0x7b: {  	_ =	shalt  }
0x7c: {  	_ =	shalt  }
0x7d: {  	_ =	shalt  }
0x7e: {  	_ =	shalt  }
0x7f: {  	_ =	shalt  }
0x80: {  	_ =	shalt  }
0x81: {  	_ =	shalt  }
0x82: {  	_ =	shalt  }
0x83: {  	_ =	shalt  }
0x84: {  	_ =	shalt  }
0x85: {  	_ =	shalt  }
0x86: {  	_ =	shalt  }
0x87: {  	_ =	shalt  }
.Lfunc_end0:
.L_simem_size_0:
called_computation.1_lowered:
.L_overlay_start_0:
0x88: {  	s2 =	sld [smem:$0x3FD9]  }
0x89: {  	s3 =	sld [smem:$0x3FFE];
	_ =	sdelay $0x1  }
0x8a: {  	s1 =	srdreg.scid  }
0x8b: {  	s0 =	sand.u32 $0x1, s1  }
0x8c: {  	s17 =	sshll.u32 s0, $0xA;
	s2 =	sadd.s32 s3, s2  }
0x8d: {  	s2 =	sadd.s32 s2, s17  }
0x8e: {  	[smem:$0x3FBE] =	sst s2  }
0x8f: {  	_ = 	snop  }
0x90: {  	s2 =	sld [smem:$0x3FD0];
	(tm) =	ssettm $0x1  }
0x91: {  	s18 =	sld [smem:$0x3FFB];
	_ =	sdelay $0x3  }
0x92: {  	_ =	strace s18  }
0x93: {  	s3 =	sld [smem:$0x3FFC];
	_ =	sdelay $0x3  }
0x94: {  	_ =	strace s3  }
0x95: {  	s3 =	sld [smem:$0x3FFD];
	_ =	sdelay $0x3  }
0x96: {  	_ =	strace s3  }
0x97: {  	_ =	strace $0x8FFFFFFF  }
0x98: {  	s19 =	sld [smem:$0x3FDB];
	_ =	sdelay $0x1  }
0x99: {  	s4 =	simm.s32 $_scs_section_size  }
0x9a: {  	s5 =	simm.s32 $_size__tile_overlayer_lowered;
	s6 =	simm.s32 $_tile_overlayer_lowered  }
0x9b: {  	s22 =	simm.s32 $0x1BFF;
	s21 =	sshll.u32 s6, $0x1;
	s3 =	sadd.s32 s4, s19  }
0x9c: {  	s7 =	simm.s32 $0x0;
	s20 =	sshll.u32 s5, $0x1;
	s5 =	sadd.s32 s21, s3  }
0x9d: {  	[timem:s7], [sflag:s22] =	dma.local [hbm:s5], s20  }
0x9e: {  	_ =	swait.ge [sflag:s22], s20  }
0x9f: {  	s4 =	ssub.s32 $0x0, s20;
	[sflag:s22] =	ssyncset.done $0x0  }
0xa0: {  	[sflag:s22] =	ssyncadd.s32 s4;
	_ =	sdelay $0x1  }
0xa1: {  	s23 =	simm.s32 $0x1B8B  }
0xa2: {  	_ =	swait.ge [sflag:s23], $0x1  }
0xa3: {  	[sflag:s23] =	ssyncset.done $0x0  }
0xa4: {  	s25 =	simm.s32 $0x1B8E;
	s24 =	sld [smem:$0x3FFE];
	[sflag:s23] =	ssyncadd.s32 $0xFFFFFFFF  }
0xa5: {  	s26 =	simm.s32 $execute0_lowered;
	[smem:$0x3FD2] =	sst s25  }
0xa6: {  	s5 =	sshll.u32 s26, $0x1;
	_ =	strace $0x80000049;
	[dreg:$0x1] =	wrdreg $0xFFFFFFFF  }
0xa7: {  	s28 =	simm.s32 $_size_execute0_lowered;
	s3 =	sadd.s32 s3, s5;
	[dreg:$0x0] =	wrdreg $0x0  }
0xa8: {  	s5 =	sshll.u32 s28, $0x1;
	[dreg:$0x2] =	wrdreg s3  }
0xa9: {  	[dreg:$0x3] =	wrdreg s5  }
0xaa: {  	[dreg:$0x4] =	wrdreg $0xC0  }
0xab: {  	_ =	task [dreg:s7], $0x5FFFF  }
0xac: {  	[dreg:$0x1] =	wrdreg $0xFFFFFFFF  }
0xad: {  	[dreg:$0x0] =	wrdreg $0x60  }
0xae: {  	[dreg:$0x2] =	wrdreg s24  }
0xaf: {  	[dreg:$0x3] =	wrdreg s2  }
0xb0: {  	[dreg:$0x4] =	wrdreg $0x1B0200  }
0xb1: {  	[dreg:$0x5] =	wrdreg $0x162000  }
0xb2: {  	[dreg:$0x6] =	wrdreg $0x9  }
0xb3: {  	_ =	task.clear_ibuf [dreg:s7], $0x7FFFF;
	_ =	strace $0x90000049  }
0xb4: {  	s29 =	simm.s32 $0x9;
	_ =	strace $0x8000004B  }
0xb5: {  	_ =	swait.ge [sflag:s29], $0x1  }
0xb6: {  	[sflag:s29] =	ssyncadd.s32 $0xFFFFFFFF  }
0xb7: {  	_ =	strace $0x9000004B  }
0xb8: {  	_ =	sfence  }
0xb9: {  	s30 =	sld [smem:$0x0];
	_ =	sdelay $0x2  }
0xba: {  	s31 =	sshll.u32 s1, $0xD;
	s1 =	sshrl.u32 s1, $0x2  }
0xbb: {  	s3 =	sand.u32 $0x4000, s31;
	s1 =	sadd.s32 s1, s30  }
0xbc: {  	s0 =	sor.u32 s3, s0;
	s1 =	sshll.u32 s1, $0x11  }
0xbd: {  	s0 =	sor.u32 s1, s0  }
0xbe: {  	s0 =	sadd.s32 $0x8F2B, s0  }
0xbf: {  	[sflag:s0] =	ssyncadd.remote.s32 $0x1  }
0xc0: {  	_ =	sfence.sel $0xFFFF  }
0xc1: {  	[dreg:$0x0] =	wrdreg $0xFFFFFFFF;
	(pc) =	sbr.abs _section_cstart, $3  }
0xc2: {  	[dreg:$0x1] =	wrdreg $0xFFFFFFFF  }
0xc3: {  	_ =	task.clear_ibuf [dreg:s7], $0x2FFFF;
	_ =	strace $0x9FFFFFFF  }
0xc4: {  	(tm) =	ssettm $0x7FFFFFFF  }
0xc5: {  	_ =	shalt  }
tec
execute0_lowered:
.L_overlay_start_1:
0x0: {  	(tag) =	ssettag $0x1  }
0x1: {  	s0 =	rddreg [dreg:$0x0]  }
0x2: {  	s1 =	rddreg [dreg:$0x1]  }
0x3: {  	s3 =	srdreg.scid;
	s12 =	stileid.u32  }
0x4: {  	s2 =	rddreg [dreg:$0x2];
	s4 =	simm.s32 $0x0;
	s7 =	smul.u32 $0x9C4, s12  }
0x5: {  	s16 =	simm.s32 $0x4;
	s17 =	simm.s32 $0x5;
	s8 =	smul.u32 $0xA00, s12  }
0x6: {  	s18 =	simm.s32 $0x1;
	s19 =	simm.s32 $0x2;
	s22 =	smul.u32 $0x9E0, s12  }
0x7: {  	s5 =	sand.u32 $0x1, s3;
	s3 =	rddreg [dreg:$0x3];
	s26 =	smul.u32 $0x13C00, s12  }
0x8: {  	s21 =	simm.s32 $0x200;
	[smem:$0x7FF] =	sst s4;
	s11 =	smul.u32 $0x13880, s12  }
0x9: {  	s24 =	sadd.s32 $0x1F200, s0;
	s6 =	smul.u32 $0x9C40, s5;
	_ =	strace $0x8000004A  }
0xa: {  	s23 =	smul.u32 $0x9E00, s5;
	[dreg:$0x5] =	wrdreg s24;
	s5 =	ssub.s32 $0x2, s5  }
0xb: {  	s24 =	simm.s32 $0x0;
	s10 =	sadd.s32 s8, s0;
	s25 =	sshrl.u32 s5, $0x1  }
0xc: {  	s28 =	sshrl.u32 s26, $0x2;
	s30 =	sshrl.u32 s11, $0x2;
	s6 =	sadd.s32 s7, s6  }
0xd: {  	s5 =	ssub.s32 s5, s25;
	s13 =	sadd.s32 s28, s2;
	s15 =	sadd.s32 s30, s3  }
0xe: {  	s10 =	sadd.s32 $0x15200, s10;
	s9 =	sadd.s32 s6, s0;
	s6 =	sadd.s32 s22, s23  }
0xf: {  	s13 =	sshrl.u32 s13, $0x3;
	s15 =	sshrl.u32 s15, $0x3;
	s22 =	simm.s32 $0x6  }
0x10: {  	s23 =	simm.s32 $0x7;
	s0 =	sadd.s32 s6, s0;
	s6 =	sshll.u32 s12, $0x6  }
0x11: {  	s12 =	smul.u32 $0xA40, s12;
	s31 =	sadd.s32 $0x1800, s9;
	s29 =	sor.u32 $0x1C04, s6  }
0x12: {  	[dreg:$0x7] =	wrdreg s31;
	s11 =	sadd.s32 $0x1FC00, s0;
	s14 =	sor.u32 $0x1C05, s6  }
0x13: {  	[dreg:$0x6] =	wrdreg s29;
	s9 =	sadd.s32 s1, s12;
	s12 =	smax.u32 s5, $0x1  }
.LBB2_1:
0x14: {  	s0 =	rddreg [dreg:$0x5]  }
0x15: {  	s1 =	rddreg [dreg:$0x6]  }
0x16: {  	[spmem:s13], [sflag:s1] =	dma.local [hbm:s0], $0x9E0  }
0x17: {  	s0 =	rddreg [dreg:$0x7]  }
0x18: {  	[spmem:s15], [sflag:s14] =	dma.local [hbm:s0], $0x9C4  }
0x19: {  	[tilespmem:s4], [sflag:$0x1] =	stream.linear.gather [hbm4b:s9+s4], $0x5200, $0x38;
	[tilespmem:$0x1FF20] =	vst v63  }
0x1a: {  	s25 =	simm.s32 $0x5200  }
0x1b: {  	[tilespmem:s25], [sflag:$0x2] =	stream.linear.gather [hbm4b:s10+s4], $0x5000, $0x38;
	[tilespmem:$0x1FF20] =	vst v63  }
0x1c: {  	_ =	swait.ge [sflag:s16], $0x9E0  }
0x1d: {  	[sflag:s16] =	ssyncset.done $0x0  }
0x1e: {  	[sflag:s16] =	ssyncadd.s32 $0xFFFFF620  }
0x1f: {  	_ =	swait.ge [sflag:s17], $0x9C4  }
0x20: {  	[sflag:s17] =	ssyncset.done $0x0  }
0x21: {  	s26 =	smul.u32 $0xAB, s4;
	[sflag:s17] =	ssyncadd.s32 $0xFFFFF63C  }
0x22: {  	_ =	swait.ge [sflag:s18], $0x5200  }
0x23: {  	s7 =	sshrl.u32 s26, $0x9;
	[sflag:s18] =	ssyncset.done $0x0  }
0x24: {  	s1 =	sand.u32 $0x7F, s7;
	[sflag:s18] =	ssyncadd.s32 $0xFFFFAE00  }
0x25: {  	s0 =	sadd.s32 $0xAB, s26;
	s1 =	smul.u32 $0x3, s1;
	_ =	swait.ge [sflag:s19], $0x5000  }
0x26: {  	s5 =	simm.s32 $0xA200;
	s0 =	sshrl.u32 s0, $0x9;
	[sflag:s19] =	ssyncset.done $0x0  }
0x27: {  	s0 =	sand.u32 $0x7F, s0;
	s1 =	ssub.s32 $0x0, s1;
	[sflag:s19] =	ssyncadd.s32 $0xFFFFB000  }
0x28: {  	s0 =	smul.u32 $0x3, s0;
	s1 =	sand.u32 $0xFF, s1;
	[bflag:$0x0] =	sbarrier.arrive $0xFFFF  }
0x29: {  	[tilespmem:s5], [sflag:$0x1] =	stream.indirect.gather [spmem:s3], $0x20, s4, s21, $0xb8;
	[tilespmem:$0x1FF20] =	vst v63  }
0x2a: {  	s5 =	sadd.s32 $0x1, s1  }
0x2b: {  	p0 =	por $0x1, $0x1;
	s0 =	ssub.s32 $0x1, s0;
	_ =	swait.ge [sflag:s5], $0x4000  }
0x2c: {  	s29 =	simm.s32 $0x2;
	s0 =	sand.u32 $0xFF, s0;
	[sflag:s5] =	ssyncset.done $0x0  }
0x2d: {  	s26 =	simm.s32 $0x1;
	[sflag:s5] =	ssyncadd.s32 $0xFFFFC000;
	s5 =	sadd.s32 @!p0 $0x4, s0  }
0x2e: {  	s28 =	smul.u32 $0xAB, s26;
	s20 =	sshll.u32 s1, $0xE;
	_ =	swait.ge @!p0 [sflag:s5], $0x4000  }
0x2f: {  	s30 =	sadd.s32 $0x4, s1;
	s8 =	sshll.u32 s0, $0xE;
	[sflag:s5] =	ssyncset.done @!p0 $0x0  }
0x30: {  	s1 =	sadd.s32 $0xA200, s8;
	s0 =	sadd.s32 $0x1, s0;
	[sflag:s5] =	ssyncadd.s32 @!p0 $0xFFFFC000  }
0x31: {  	[tilespmem:s1], [sflag:s0] =	stream.indirect.gather [spmem:s3], $0x20, s21, s21, $0xb8;
	[tilespmem:$0x1FF20] =	vst v63  }
0x32: {  	s31 =	simm.s32 $0x5200;
	s5 =	sshrl.u32 s28, $0x9;
	s0 =	sadd.s32 $0xA200, s20  }
0x33: {  	s20 =	sadd.s32 $0xAB, s28;
	s28 =	simm.s32 $0x400;
	s1 =	simm.s32 $0x2  }
.LBB2_2:
0x34: {  	s5 =	sand.u32 $0x7F, s5  }
0x35: {  	s25 =	sadd.s32 $0x200, s25;
	s7 =	smov.u32 s29;
	s29 =	sadd.s32 $0x1, s29  }
0x36: {  	s20 =	sshrl.u32 s20, $0x9;
	p0 =	sne.s32 s29, $0x28;
	s5 =	smul.u32 $0x3, s5  }
0x37: {  	[spmem:s2] =	stream.indirect.scatter.add.f32 [tilespmem:s0], [sflag:s30], $0x20, s31, s21, $0xb8;
	[tilespmem:$0x1FF20] =	vst v63  }
0x38: {  	s31 =	smov.u32 s25;
	s0 =	ssub.s32 s26, s5;
	s5 =	sand.u32 $0x7F, s20  }
0x39: {  	s0 =	sand.u32 $0xFF, s0;
	s5 =	smul.u32 $0x3, s5  }
0x3a: {  	s20 =	sshll.u32 s0, $0xE;
	s8 =	sadd.s32 $0x1, s0;
	s30 =	sadd.s32 $0x4, s0  }
0x3b: {  	s1 =	ssub.s32 s1, s5;
	s0 =	sadd.s32 $0xA200, s20;
	_ =	swait.ge [sflag:s8], $0x4000  }
0x3c: {  	p1 =	slt.u32 s26, $0x2;
	s5 =	sand.u32 $0xFF, s1;
	[sflag:s8] =	ssyncset.done $0x0  }
0x3d: {  	[sflag:s8] =	ssyncadd.s32 $0xFFFFC000;
	s8 =	sadd.s32 @!p1 $0x4, s5;
	s20 =	sshll.u32 s5, $0xE  }
.Ltmp0:
0x3e: {  	s1 =	smov.u32 s29;
	_ =	swait.ge @!p1 [sflag:s8], $0x4000;
	(pc) =	sbr.rel @p0 .LBB2_2-.Ltmp0, $4  }
0x3f: {  	s26 =	smov.u32 s7;
	s5 =	sadd.s32 $0x1, s5;
	[sflag:s8] =	ssyncset.done @!p1 $0x0  }
0x40: {  	s7 =	smul.u32 $0xAB, s26;
	[sflag:s8] =	ssyncadd.s32 @!p1 $0xFFFFC000;
	s8 =	sadd.s32 $0xA200, s20  }
0x41: {  	[tilespmem:s8], [sflag:s5] =	stream.indirect.gather [spmem:s3], $0x20, s28, s21, $0xb8;
	[tilespmem:$0x1FF20] =	vst v63  }
0x42: {  	s20 =	sadd.s32 $0xAB, s7;
	s5 =	sshrl.u32 s7, $0x9;
	s28 =	sadd.s32 $0x200, s28  }
0x43: {  	s5 =	sand.u32 $0x7F, s5  }
0x44: {  	s7 =	sshrl.u32 s20, $0x9;
	s5 =	smul.u32 $0x3, s5  }
0x45: {  	[spmem:s2] =	stream.indirect.scatter.add.f32 [tilespmem:s0], [sflag:s30], $0x20, s31, s21, $0xb8;
	[tilespmem:$0x1FF20] =	vst v63  }
0x46: {  	s7 =	sand.u32 $0x7F, s7;
	s5 =	ssub.s32 s26, s5  }
0x47: {  	s0 =	sand.u32 $0xFF, s5;
	s5 =	smul.u32 $0x3, s7  }
0x48: {  	s8 =	sadd.s32 $0x1, s0  }
0x49: {  	s1 =	ssub.s32 s1, s5;
	_ =	swait.ge [sflag:s8], $0x4000  }
0x4a: {  	p0 =	slt.u32 s26, $0x2;
	s1 =	sand.u32 $0xFF, s1;
	[sflag:s8] =	ssyncset.done $0x0  }
0x4b: {  	[sflag:s8] =	ssyncadd.s32 $0xFFFFC000;
	s5 =	sadd.s32 @!p0 $0x4, s1  }
0x4c: {  	_ =	swait.ge @!p0 [sflag:s5], $0x4000  }
0x4d: {  	s20 =	sshll.u32 s0, $0xE;
	s8 =	sshll.u32 s1, $0xE;
	[sflag:s5] =	ssyncset.done @!p0 $0x0  }
0x4e: {  	s1 =	sadd.s32 $0x1, s1;
	s26 =	sadd.s32 $0xA200, s8;
	[sflag:s5] =	ssyncadd.s32 @!p0 $0xFFFFC000  }
0x4f: {  	[tilespmem:s26], [sflag:s1] =	stream.indirect.gather [spmem:s3], $0x20, s28, s21, $0xb8;
	[tilespmem:$0x1FF20] =	vst v63  }
0x50: {  	s29 =	sadd.s32 $0x200, s25;
	s0 =	sadd.s32 $0x4, s0;
	s30 =	sadd.s32 $0xA200, s20  }
0x51: {  	[spmem:s2] =	stream.indirect.scatter.add.f32 [tilespmem:s30], [sflag:s0], $0x20, s29, s21, $0xb8;
	[tilespmem:$0x1FF20] =	vst v63  }
0x52: {  	_ =	swait.ge [sflag:s22], $0x4000  }
0x53: {  	[sflag:s22] =	ssyncset.done $0x0  }
0x54: {  	[sflag:s22] =	ssyncadd.s32 $0xFFFFC000  }
0x55: {  	_ =	swait.ge [sflag:s16], $0x4000  }
0x56: {  	[sflag:s16] =	ssyncset.done $0x0  }
0x57: {  	[sflag:s16] =	ssyncadd.s32 $0xFFFFC000  }
0x58: {  	_ =	swait.ge [sflag:s19], $0x4000  }
0x59: {  	s24 =	sadd.s32 $0x1, s24;
	[sflag:s19] =	ssyncset.done $0x0  }
0x5a: {  	p0 =	sne.s32 s24, s12;
	[sflag:s19] =	ssyncadd.s32 $0xFFFFC000  }
.Ltmp1:
0x5b: {  	s31 =	sor.u32 $0x1C07, s6;
	[bflag:$0x0] =	sbarrier.arrive $0xFFFF;
	(pc) =	sbr.rel @p0 .LBB2_1-.Ltmp1, $4  }
0x5c: {  	[hbm:s11], [sflag:s31] =	dma.local [spmem:s13], $0x9E0  }
0x5d: {  	_ =	swait.ge [sflag:s23], $0x9E0  }
0x5e: {  	[sflag:s23] =	ssyncset.done $0x0  }
0x5f: {  	[sflag:s23] =	ssyncadd.s32 $0xFFFFF620  }
0x60: {  	_ =	sfence.sel $0x180000  }
0x61: {  	[bflag:$0x0] =	sbarrier.arrive $0xFFFF  }
0x62: {  	_ =	strace $0x9000004A  }
0x63: {  	s0 =	stileid.u32;
	[bflag:$0x2] =	sbarrier.arrive $0xFFFF  }
0x64: {  	p0 =	sne.s32 s0, $0x0;
	s0 =	rddreg [dreg:$0x4]  }
0x65: {  	s0 =	sadd.s32 @!p0 $0x100000, s0  }
0x66: {  	[sflag:s0] =	ssyncadd.tile.s32 @!p0 $0x1;
	_ =	shalt  }
.Lfunc_end2:
_tile_overlayer_lowered:
.L_overlay_start_2:
0x67: {  	(tag) =	ssettag $0x2  }
0x68: {  	s0 =	rddreg [dreg:$0x0];
	s2 =	stileid.u32  }
0x69: {  	s1 =	rddreg [dreg:$0x1];
	p0 =	sne.s32 s2, $0x0  }
0x6a: {  	s3 =	rddreg [dreg:$0x2];
	[bflag:$0x3] =	sbarrier.arrive $0xFFFF;
	s2 =	simm.s32 @!p0 $0x1C07  }
0x6b: {  	[timem:s3], [sflag:s2] =	dma.local @!p0 [hbm:s0], s1  }
0x6c: {  	s0 =	simm.s32 @!p0 $0x7  }
0x6d: {  	_ =	swait.ge @!p0 [sflag:s0], s1  }
0x6e: {  	s1 =	ssub.s32 @!p0 $0x0, s1;
	[sflag:s0] =	ssyncset.done @!p0 $0x0  }
0x6f: {  	[sflag:s0] =	ssyncadd.s32 @!p0 s1  }
0x70: {  	[bflag:$0x3] =	sbarrier.arrive $0xFFFF  }
0x71: {  	_ =	shalt  }

// kernel: kernel.7.cloned.1.call-start
scs
__scs_entry_jumppad:
0x0: {  	(pc) =	sbr.rel $0x88, $3  }
0x1: {  	(tag) =	ssettag $0x0;
	lr =	simm.s32 $0x1  }
0x2: {  	[smem:$0x3F97] =	sst lr;
	_ =	strace $0xD0000000  }
0x3: {  	_ = 	snop  }
0x4: {  	_ = 	snop  }
0x5: {  	_ = 	snop  }
0x6: {  	_ = 	snop  }
0x7: {  	_ = 	snop  }
__scs_overlays_trampoline_lowered:
0x8: {  	[smem:$0x3FA6] =	sst s0  }
0x9: {  	[smem:$0x3FA7] =	sst s1  }
0xa: {  	[smem:$0x3FA8] =	sst s2  }
0xb: {  	[smem:$0x3FA9] =	sst s3  }
0xc: {  	[smem:$0x3FAA] =	sst s4  }
0xd: {  	[smem:$0x3FAB] =	sst s5  }
0xe: {  	[smem:$0x3FAC] =	sst s6  }
0xf: {  	[smem:$0x3FAD] =	sst s7  }
0x10: {  	[smem:$0x3FAE] =	sst s8  }
0x11: {  	[smem:$0x3FAF] =	sst s9;
	s0 =	simm.s32 @!p0 $0x0  }
0x12: {  	s1 =	sld [smem:$0x3F95];
	s0 =	simm.s32 @p0 $0x1  }
0x13: {  	[smem:$0x3FB0] =	sst s0;
	s0 =	simm.s32 @!p1 $0x0  }
0x14: {  	s2 =	sld [smem:$0x3F94];
	s0 =	simm.s32 @p1 $0x1  }
0x15: {  	[smem:$0x3FB1] =	sst s0;
	s0 =	simm.s32 @!p2 $0x0  }
0x16: {  	s3 =	sld [smem:$0x3FDB];
	s0 =	simm.s32 @p2 $0x1  }
0x17: {  	s4 =	simm.s32 $0x1BF5;
	[smem:$0x3FB3] =	sst s0  }
0x18: {  	s0 =	sld [smem:$0x3F96];
	_ =	swait.ge [sflag:s4], $0x0  }
0x19: {  	s7 =	sld [smem:$0x3F97]  }
0x1a: {  	s8 =	sadd.s32 $0xFFFFE003, lr  }
0x1b: {  	s9 =	sadd.s32 $0xFFFFFEF7, lr;
	s5 =	simm.s32 $0xFFFFFFFF;
	p2 =	slt.u32 s8, $0xFFFFF086  }
0x1c: {  	p1 =	slt.u32 s9, $0xF7A;
	s5 =	simm.s32 @!p2 $0x0  }
0x1d: {  	s5 =	simm.s32 @p1 $0x1;
	p0 =	seq.s32 s7, s2  }
0x1e: {  	s7 =	smul.u32 @!p0 $0xF7A, s2;
	p2 =	seq.s32 @!p0 s5, $0x0  }
0x1f: {  	s9 =	smul.u32 $0xF7A, s1;
	s8 =	simm.s32 @!p0 $0x1BF5;
	p2 =	por !p2, p0  }
0x20: {  	[sflag:s8] =	ssyncset.s32 @!p0 $0xFFFFF086;
	s6 =	sadd.s32 @!p0 s3, s7;
	s7 =	simm.s32 @!p0 $0x108  }
0x21: {  	s3 =	sadd.s32 s3, s9;
	s6 =	sadd.s32 @!p0 $0x88, s6;
	s7 =	simm.s32 @p2 $0x1082  }
0x22: {  	[simem:s7], [sflag:s8] =	dma.local @!p0 [hbm:s6], $0xF7A  }
0x23: {  	s9 =	sor.u32 $0xD0000000, s2;
	s6 =	simm.s32 $0x108;
	_ =	swait.ge @!p0 [sflag:s8], $0x0  }
0x24: {  	s3 =	sadd.s32 $0x88, s3;
	s6 =	simm.s32 @!p1 $0x1082;
	[sflag:s4] =	ssyncset.s32 $0xFFFFF086  }
0x25: {  	[simem:s6], [sflag:s4] =	dma.local [hbm:s3], $0xF7A  }
0x26: {  	[smem:$0x3F97] =	sst s1;
	(tag) =	ssettag s2;
	_ =	strace s9  }
0x27: {  	s1 =	sld [smem:$0x3FA7]  }
0x28: {  	s2 =	sld [smem:$0x3FA8]  }
0x29: {  	s4 =	sld [smem:$0x3FAA]  }
0x2a: {  	p0 =	seq.s32 s5, $0x0;
	s5 =	sld [smem:$0x3FAB]  }
0x2b: {  	s6 =	sld [smem:$0x3FAC]  }
0x2c: {  	s7 =	sld [smem:$0x3FAD]  }
0x2d: {  	s3 =	simm.s32 $0x108;
	s8 =	sld [smem:$0x3FAE]  }
0x2e: {  	s3 =	simm.s32 @!p0 $0x1082;
	s9 =	sld [smem:$0x3FAF]  }
0x2f: {  	lr =	sadd.s32 s0, s3;
	s0 =	sld [smem:$0x3FA6]  }
0x30: {  	s3 =	sld [smem:$0x3FA9]  }
0x31: {  	[smem:$0x3FB2] =	sst s10  }
0x32: {  	s10 =	sld [smem:$0x3FB0];
	_ =	sdelay $0x3  }
0x33: {  	p0 =	seq.s32 s10, $0x1;
	s10 =	sld [smem:$0x3FB2];
	_ =	sdelay $0x3  }
0x34: {  	[smem:$0x3FB2] =	sst s10  }
0x35: {  	s10 =	sld [smem:$0x3FB1];
	_ =	sdelay $0x3  }
0x36: {  	p1 =	seq.s32 s10, $0x1;
	s10 =	sld [smem:$0x3FB2];
	_ =	sdelay $0x3  }
0x37: {  	[smem:$0x3FB2] =	sst s10  }
0x38: {  	s10 =	sld [smem:$0x3FB3]  }
0x39: {  	_ = 	snop;
	(pc) =	sbr.ind lr, $3  }
0x3a: {  	_ = 	snop  }
0x3b: {  	_ = 	snop  }
0x3c: {  	p2 =	seq.s32 s10, $0x1;
	s10 =	sld [smem:$0x3FB2]  }
0x3d: {  	_ =	shalt  }
0x3e: {  	_ =	shalt  }
0x3f: {  	_ =	shalt  }
0x40: {  	_ =	shalt  }
0x41: {  	_ =	shalt  }
0x42: {  	_ =	shalt  }
0x43: {  	_ =	shalt  }
0x44: {  	_ =	shalt  }
0x45: {  	_ =	shalt  }
0x46: {  	_ =	shalt  }
0x47: {  	_ =	shalt  }
0x48: {  	_ =	shalt  }
0x49: {  	_ =	shalt  }
0x4a: {  	_ =	shalt  }
0x4b: {  	_ =	shalt  }
0x4c: {  	_ =	shalt  }
0x4d: {  	_ =	shalt  }
0x4e: {  	_ =	shalt  }
0x4f: {  	_ =	shalt  }
0x50: {  	_ =	shalt  }
0x51: {  	_ =	shalt  }
0x52: {  	_ =	shalt  }
0x53: {  	_ =	shalt  }
0x54: {  	_ =	shalt  }
0x55: {  	_ =	shalt  }
0x56: {  	_ =	shalt  }
0x57: {  	_ =	shalt  }
0x58: {  	_ =	shalt  }
0x59: {  	_ =	shalt  }
0x5a: {  	_ =	shalt  }
0x5b: {  	_ =	shalt  }
0x5c: {  	_ =	shalt  }
0x5d: {  	_ =	shalt  }
0x5e: {  	_ =	shalt  }
0x5f: {  	_ =	shalt  }
0x60: {  	_ =	shalt  }
0x61: {  	_ =	shalt  }
0x62: {  	_ =	shalt  }
0x63: {  	_ =	shalt  }
0x64: {  	_ =	shalt  }
0x65: {  	_ =	shalt  }
0x66: {  	_ =	shalt  }
0x67: {  	_ =	shalt  }
0x68: {  	_ =	shalt  }
0x69: {  	_ =	shalt  }
0x6a: {  	_ =	shalt  }
0x6b: {  	_ =	shalt  }
0x6c: {  	_ =	shalt  }
0x6d: {  	_ =	shalt  }
0x6e: {  	_ =	shalt  }
0x6f: {  	_ =	shalt  }
0x70: {  	_ =	shalt  }
0x71: {  	_ =	shalt  }
0x72: {  	_ =	shalt  }
0x73: {  	_ =	shalt  }
0x74: {  	_ =	shalt  }
0x75: {  	_ =	shalt  }
0x76: {  	_ =	shalt  }
0x77: {  	_ =	shalt  }
0x78: {  	_ =	shalt  }
0x79: {  	_ =	shalt  }
0x7a: {  	_ =	shalt  }
0x7b: {  	_ =	shalt  }
0x7c: {  	_ =	shalt  }
0x7d: {  	_ =	shalt  }
0x7e: {  	_ =	shalt  }
0x7f: {  	_ =	shalt  }
0x80: {  	_ =	shalt  }
0x81: {  	_ =	shalt  }
0x82: {  	_ =	shalt  }
0x83: {  	_ =	shalt  }
0x84: {  	_ =	shalt  }
0x85: {  	_ =	shalt  }
0x86: {  	_ =	shalt  }
0x87: {  	_ =	shalt  }
.Lfunc_end0:
.L_simem_size_0:
called_computation_lowered:
.L_overlay_start_0:
0x88: {  	s2 =	sld [smem:$0x3FD9]  }
0x89: {  	s3 =	sld [smem:$0x3FFE];
	_ =	sdelay $0x1  }
0x8a: {  	s1 =	srdreg.scid  }
0x8b: {  	s0 =	sand.u32 $0x1, s1  }
0x8c: {  	s17 =	sshll.u32 s0, $0xA;
	s2 =	sadd.s32 s3, s2  }
0x8d: {  	s2 =	sadd.s32 s2, s17  }
0x8e: {  	[smem:$0x3FBE] =	sst s2  }
0x8f: {  	_ = 	snop  }
0x90: {  	s2 =	sld [smem:$0x3FD0];
	(tm) =	ssettm $0x1  }
0x91: {  	s18 =	sld [smem:$0x3FFB];
	_ =	sdelay $0x3  }
0x92: {  	_ =	strace s18  }
0x93: {  	s3 =	sld [smem:$0x3FFC];
	_ =	sdelay $0x3  }
0x94: {  	_ =	strace s3  }
0x95: {  	s3 =	sld [smem:$0x3FFD];
	_ =	sdelay $0x3  }
0x96: {  	_ =	strace s3  }
0x97: {  	_ =	strace $0x8FFFFFFF  }
0x98: {  	s19 =	sld [smem:$0x3FDB];
	_ =	sdelay $0x1  }
0x99: {  	s4 =	simm.s32 $_scs_section_size  }
0x9a: {  	s5 =	simm.s32 $_size__tile_overlayer_lowered;
	s6 =	simm.s32 $_tile_overlayer_lowered  }
0x9b: {  	s22 =	simm.s32 $0x1BFF;
	s21 =	sshll.u32 s6, $0x1;
	s3 =	sadd.s32 s4, s19  }
0x9c: {  	s7 =	simm.s32 $0x0;
	s20 =	sshll.u32 s5, $0x1;
	s5 =	sadd.s32 s21, s3  }
0x9d: {  	[timem:s7], [sflag:s22] =	dma.local [hbm:s5], s20  }
0x9e: {  	_ =	swait.ge [sflag:s22], s20  }
0x9f: {  	s4 =	ssub.s32 $0x0, s20;
	[sflag:s22] =	ssyncset.done $0x0  }
0xa0: {  	[sflag:s22] =	ssyncadd.s32 s4;
	_ =	sdelay $0x1  }
0xa1: {  	s23 =	simm.s32 $0x1B8B  }
0xa2: {  	_ =	swait.ge [sflag:s23], $0x1  }
0xa3: {  	[sflag:s23] =	ssyncset.done $0x0  }
0xa4: {  	s25 =	simm.s32 $0x1B8E;
	s24 =	sld [smem:$0x3FFE];
	[sflag:s23] =	ssyncadd.s32 $0xFFFFFFFF  }
0xa5: {  	s26 =	simm.s32 $execute0_lowered;
	[smem:$0x3FD2] =	sst s25  }
0xa6: {  	s5 =	sshll.u32 s26, $0x1;
	_ =	strace $0x80000046;
	[dreg:$0x1] =	wrdreg $0xFFFFFFFF  }
0xa7: {  	s28 =	simm.s32 $_size_execute0_lowered;
	s3 =	sadd.s32 s3, s5;
	[dreg:$0x0] =	wrdreg $0x0  }
0xa8: {  	s5 =	sshll.u32 s28, $0x1;
	[dreg:$0x2] =	wrdreg s3  }
0xa9: {  	[dreg:$0x3] =	wrdreg s5  }
0xaa: {  	[dreg:$0x4] =	wrdreg $0xC0  }
0xab: {  	_ =	task [dreg:s7], $0x5FFFF  }
0xac: {  	[dreg:$0x1] =	wrdreg $0xFFFFFFFF  }
0xad: {  	[dreg:$0x0] =	wrdreg $0x60  }
0xae: {  	[dreg:$0x2] =	wrdreg s24  }
0xaf: {  	[dreg:$0x3] =	wrdreg s2  }
0xb0: {  	[dreg:$0x4] =	wrdreg $0x1B0200  }
0xb1: {  	[dreg:$0x5] =	wrdreg $0x162000  }
0xb2: {  	[dreg:$0x6] =	wrdreg $0x9  }
0xb3: {  	_ =	task.clear_ibuf [dreg:s7], $0x7FFFF;
	_ =	strace $0x90000046  }
0xb4: {  	s29 =	simm.s32 $0x9;
	_ =	strace $0x80000048  }
0xb5: {  	_ =	swait.ge [sflag:s29], $0x1  }
0xb6: {  	[sflag:s29] =	ssyncadd.s32 $0xFFFFFFFF  }
0xb7: {  	_ =	strace $0x90000048  }
0xb8: {  	_ =	sfence  }
0xb9: {  	s30 =	sld [smem:$0x0];
	_ =	sdelay $0x2  }
0xba: {  	s31 =	sshll.u32 s1, $0xD;
	s1 =	sshrl.u32 s1, $0x2  }
0xbb: {  	s3 =	sand.u32 $0x4000, s31;
	s1 =	sadd.s32 s1, s30  }
0xbc: {  	s0 =	sor.u32 s3, s0;
	s1 =	sshll.u32 s1, $0x11  }
0xbd: {  	s0 =	sor.u32 s1, s0  }
0xbe: {  	s0 =	sadd.s32 $0x8F2B, s0  }
0xbf: {  	[sflag:s0] =	ssyncadd.remote.s32 $0x1  }
0xc0: {  	_ =	sfence.sel $0xFFFF  }
0xc1: {  	[dreg:$0x0] =	wrdreg $0xFFFFFFFF;
	(pc) =	sbr.abs _section_cstart, $3  }
0xc2: {  	[dreg:$0x1] =	wrdreg $0xFFFFFFFF  }
0xc3: {  	_ =	task.clear_ibuf [dreg:s7], $0x2FFFF;
	_ =	strace $0x9FFFFFFF  }
0xc4: {  	(tm) =	ssettm $0x7FFFFFFF  }
0xc5: {  	_ =	shalt  }
tec
execute0_lowered:
.L_overlay_start_1:
0x0: {  	(tag) =	ssettag $0x1  }
0x1: {  	s0 =	rddreg [dreg:$0x0]  }
0x2: {  	s1 =	rddreg [dreg:$0x1]  }
0x3: {  	s3 =	srdreg.scid;
	s12 =	stileid.u32  }
0x4: {  	s2 =	rddreg [dreg:$0x2];
	s4 =	simm.s32 $0x0;
	s7 =	smul.u32 $0x9C4, s12  }
0x5: {  	s16 =	simm.s32 $0x4;
	s17 =	simm.s32 $0x5;
	s8 =	smul.u32 $0xA00, s12  }
0x6: {  	s18 =	simm.s32 $0x1;
	s19 =	simm.s32 $0x2;
	s22 =	smul.u32 $0x9E0, s12  }
0x7: {  	s5 =	sand.u32 $0x1, s3;
	s3 =	rddreg [dreg:$0x3];
	s26 =	smul.u32 $0x13C00, s12  }
0x8: {  	s21 =	simm.s32 $0x200;
	[smem:$0x7FF] =	sst s4;
	s11 =	smul.u32 $0x13880, s12  }
0x9: {  	s24 =	sadd.s32 $0x1F200, s0;
	s6 =	smul.u32 $0x9C40, s5;
	_ =	strace $0x80000047  }
0xa: {  	s23 =	smul.u32 $0x9E00, s5;
	[dreg:$0x5] =	wrdreg s24;
	s5 =	ssub.s32 $0x2, s5  }
0xb: {  	s24 =	simm.s32 $0x0;
	s10 =	sadd.s32 s8, s0;
	s25 =	sshrl.u32 s5, $0x1  }
0xc: {  	s28 =	sshrl.u32 s26, $0x2;
	s30 =	sshrl.u32 s11, $0x2;
	s6 =	sadd.s32 s7, s6  }
0xd: {  	s5 =	ssub.s32 s5, s25;
	s13 =	sadd.s32 s28, s2;
	s15 =	sadd.s32 s30, s3  }
0xe: {  	s10 =	sadd.s32 $0x15200, s10;
	s9 =	sadd.s32 s6, s0;
	s6 =	sadd.s32 s22, s23  }
0xf: {  	s13 =	sshrl.u32 s13, $0x3;
	s15 =	sshrl.u32 s15, $0x3;
	s22 =	simm.s32 $0x6  }
0x10: {  	s23 =	simm.s32 $0x7;
	s0 =	sadd.s32 s6, s0;
	s6 =	sshll.u32 s12, $0x6  }
0x11: {  	s12 =	smul.u32 $0xA40, s12;
	s31 =	sadd.s32 $0x1800, s9;
	s29 =	sor.u32 $0x1C04, s6  }
0x12: {  	[dreg:$0x7] =	wrdreg s31;
	s11 =	sadd.s32 $0x1FC00, s0;
	s14 =	sor.u32 $0x1C05, s6  }
0x13: {  	[dreg:$0x6] =	wrdreg s29;
	s9 =	sadd.s32 s1, s12;
	s12 =	smax.u32 s5, $0x1  }
.LBB2_1:
0x14: {  	s0 =	rddreg [dreg:$0x5]  }
0x15: {  	s1 =	rddreg [dreg:$0x6]  }
0x16: {  	[spmem:s13], [sflag:s1] =	dma.local [hbm:s0], $0x9E0  }
0x17: {  	s0 =	rddreg [dreg:$0x7]  }
0x18: {  	[spmem:s15], [sflag:s14] =	dma.local [hbm:s0], $0x9C4  }
0x19: {  	[tilespmem:s4], [sflag:$0x1] =	stream.linear.gather [hbm4b:s9+s4], $0x5200, $0x38;
	[tilespmem:$0x1FF20] =	vst v63  }
0x1a: {  	s25 =	simm.s32 $0x5200  }
0x1b: {  	[tilespmem:s25], [sflag:$0x2] =	stream.linear.gather [hbm4b:s10+s4], $0x5000, $0x38;
	[tilespmem:$0x1FF20] =	vst v63  }
0x1c: {  	_ =	swait.ge [sflag:s16], $0x9E0  }
0x1d: {  	[sflag:s16] =	ssyncset.done $0x0  }
0x1e: {  	[sflag:s16] =	ssyncadd.s32 $0xFFFFF620  }
0x1f: {  	_ =	swait.ge [sflag:s17], $0x9C4  }
0x20: {  	[sflag:s17] =	ssyncset.done $0x0  }
0x21: {  	s26 =	smul.u32 $0xAB, s4;
	[sflag:s17] =	ssyncadd.s32 $0xFFFFF63C  }
0x22: {  	_ =	swait.ge [sflag:s18], $0x5200  }
0x23: {  	s7 =	sshrl.u32 s26, $0x9;
	[sflag:s18] =	ssyncset.done $0x0  }
0x24: {  	s1 =	sand.u32 $0x7F, s7;
	[sflag:s18] =	ssyncadd.s32 $0xFFFFAE00  }
0x25: {  	s0 =	sadd.s32 $0xAB, s26;
	s1 =	smul.u32 $0x3, s1;
	_ =	swait.ge [sflag:s19], $0x5000  }
0x26: {  	s5 =	simm.s32 $0xA200;
	s0 =	sshrl.u32 s0, $0x9;
	[sflag:s19] =	ssyncset.done $0x0  }
0x27: {  	s0 =	sand.u32 $0x7F, s0;
	s1 =	ssub.s32 $0x0, s1;
	[sflag:s19] =	ssyncadd.s32 $0xFFFFB000  }
0x28: {  	s0 =	smul.u32 $0x3, s0;
	s1 =	sand.u32 $0xFF, s1;
	[bflag:$0x0] =	sbarrier.arrive $0xFFFF  }
0x29: {  	[tilespmem:s5], [sflag:$0x1] =	stream.indirect.gather [spmem:s3], $0x20, s4, s21, $0xb8;
	[tilespmem:$0x1FF20] =	vst v63  }
0x2a: {  	s5 =	sadd.s32 $0x1, s1  }
0x2b: {  	p0 =	por $0x1, $0x1;
	s0 =	ssub.s32 $0x1, s0;
	_ =	swait.ge [sflag:s5], $0x4000  }
0x2c: {  	s29 =	simm.s32 $0x2;
	s0 =	sand.u32 $0xFF, s0;
	[sflag:s5] =	ssyncset.done $0x0  }
0x2d: {  	s26 =	simm.s32 $0x1;
	[sflag:s5] =	ssyncadd.s32 $0xFFFFC000;
	s5 =	sadd.s32 @!p0 $0x4, s0  }
0x2e: {  	s28 =	smul.u32 $0xAB, s26;
	s20 =	sshll.u32 s1, $0xE;
	_ =	swait.ge @!p0 [sflag:s5], $0x4000  }
0x2f: {  	s30 =	sadd.s32 $0x4, s1;
	s8 =	sshll.u32 s0, $0xE;
	[sflag:s5] =	ssyncset.done @!p0 $0x0  }
0x30: {  	s1 =	sadd.s32 $0xA200, s8;
	s0 =	sadd.s32 $0x1, s0;
	[sflag:s5] =	ssyncadd.s32 @!p0 $0xFFFFC000  }
0x31: {  	[tilespmem:s1], [sflag:s0] =	stream.indirect.gather [spmem:s3], $0x20, s21, s21, $0xb8;
	[tilespmem:$0x1FF20] =	vst v63  }
0x32: {  	s31 =	simm.s32 $0x5200;
	s5 =	sshrl.u32 s28, $0x9;
	s0 =	sadd.s32 $0xA200, s20  }
0x33: {  	s20 =	sadd.s32 $0xAB, s28;
	s28 =	simm.s32 $0x400;
	s1 =	simm.s32 $0x2  }
.LBB2_2:
0x34: {  	s5 =	sand.u32 $0x7F, s5  }
0x35: {  	s25 =	sadd.s32 $0x200, s25;
	s7 =	smov.u32 s29;
	s29 =	sadd.s32 $0x1, s29  }
0x36: {  	s20 =	sshrl.u32 s20, $0x9;
	p0 =	sne.s32 s29, $0x28;
	s5 =	smul.u32 $0x3, s5  }
0x37: {  	[spmem:s2] =	stream.indirect.scatter.add.f32 [tilespmem:s0], [sflag:s30], $0x20, s31, s21, $0xb8;
	[tilespmem:$0x1FF20] =	vst v63  }
0x38: {  	s31 =	smov.u32 s25;
	s0 =	ssub.s32 s26, s5;
	s5 =	sand.u32 $0x7F, s20  }
0x39: {  	s0 =	sand.u32 $0xFF, s0;
	s5 =	smul.u32 $0x3, s5  }
0x3a: {  	s20 =	sshll.u32 s0, $0xE;
	s8 =	sadd.s32 $0x1, s0;
	s30 =	sadd.s32 $0x4, s0  }
0x3b: {  	s1 =	ssub.s32 s1, s5;
	s0 =	sadd.s32 $0xA200, s20;
	_ =	swait.ge [sflag:s8], $0x4000  }
0x3c: {  	p1 =	slt.u32 s26, $0x2;
	s5 =	sand.u32 $0xFF, s1;
	[sflag:s8] =	ssyncset.done $0x0  }
0x3d: {  	[sflag:s8] =	ssyncadd.s32 $0xFFFFC000;
	s8 =	sadd.s32 @!p1 $0x4, s5;
	s20 =	sshll.u32 s5, $0xE  }
.Ltmp0:
0x3e: {  	s1 =	smov.u32 s29;
	_ =	swait.ge @!p1 [sflag:s8], $0x4000;
	(pc) =	sbr.rel @p0 .LBB2_2-.Ltmp0, $4  }
0x3f: {  	s26 =	smov.u32 s7;
	s5 =	sadd.s32 $0x1, s5;
	[sflag:s8] =	ssyncset.done @!p1 $0x0  }
0x40: {  	s7 =	smul.u32 $0xAB, s26;
	[sflag:s8] =	ssyncadd.s32 @!p1 $0xFFFFC000;
	s8 =	sadd.s32 $0xA200, s20  }
0x41: {  	[tilespmem:s8], [sflag:s5] =	stream.indirect.gather [spmem:s3], $0x20, s28, s21, $0xb8;
	[tilespmem:$0x1FF20] =	vst v63  }
0x42: {  	s20 =	sadd.s32 $0xAB, s7;
	s5 =	sshrl.u32 s7, $0x9;
	s28 =	sadd.s32 $0x200, s28  }
0x43: {  	s5 =	sand.u32 $0x7F, s5  }
0x44: {  	s7 =	sshrl.u32 s20, $0x9;
	s5 =	smul.u32 $0x3, s5  }
0x45: {  	[spmem:s2] =	stream.indirect.scatter.add.f32 [tilespmem:s0], [sflag:s30], $0x20, s31, s21, $0xb8;
	[tilespmem:$0x1FF20] =	vst v63  }
0x46: {  	s7 =	sand.u32 $0x7F, s7;
	s5 =	ssub.s32 s26, s5  }
0x47: {  	s0 =	sand.u32 $0xFF, s5;
	s5 =	smul.u32 $0x3, s7  }
0x48: {  	s8 =	sadd.s32 $0x1, s0  }
0x49: {  	s1 =	ssub.s32 s1, s5;
	_ =	swait.ge [sflag:s8], $0x4000  }
0x4a: {  	p0 =	slt.u32 s26, $0x2;
	s1 =	sand.u32 $0xFF, s1;
	[sflag:s8] =	ssyncset.done $0x0  }
0x4b: {  	[sflag:s8] =	ssyncadd.s32 $0xFFFFC000;
	s5 =	sadd.s32 @!p0 $0x4, s1  }
0x4c: {  	_ =	swait.ge @!p0 [sflag:s5], $0x4000  }
0x4d: {  	s20 =	sshll.u32 s0, $0xE;
	s8 =	sshll.u32 s1, $0xE;
	[sflag:s5] =	ssyncset.done @!p0 $0x0  }
0x4e: {  	s1 =	sadd.s32 $0x1, s1;
	s26 =	sadd.s32 $0xA200, s8;
	[sflag:s5] =	ssyncadd.s32 @!p0 $0xFFFFC000  }
0x4f: {  	[tilespmem:s26], [sflag:s1] =	stream.indirect.gather [spmem:s3], $0x20, s28, s21, $0xb8;
	[tilespmem:$0x1FF20] =	vst v63  }
0x50: {  	s29 =	sadd.s32 $0x200, s25;
	s0 =	sadd.s32 $0x4, s0;
	s30 =	sadd.s32 $0xA200, s20  }
0x51: {  	[spmem:s2] =	stream.indirect.scatter.add.f32 [tilespmem:s30], [sflag:s0], $0x20, s29, s21, $0xb8;
	[tilespmem:$0x1FF20] =	vst v63  }
0x52: {  	_ =	swait.ge [sflag:s22], $0x4000  }
0x53: {  	[sflag:s22] =	ssyncset.done $0x0  }
0x54: {  	[sflag:s22] =	ssyncadd.s32 $0xFFFFC000  }
0x55: {  	_ =	swait.ge [sflag:s16], $0x4000  }
0x56: {  	[sflag:s16] =	ssyncset.done $0x0  }
0x57: {  	[sflag:s16] =	ssyncadd.s32 $0xFFFFC000  }
0x58: {  	_ =	swait.ge [sflag:s19], $0x4000  }
0x59: {  	s24 =	sadd.s32 $0x1, s24;
	[sflag:s19] =	ssyncset.done $0x0  }
0x5a: {  	p0 =	sne.s32 s24, s12;
	[sflag:s19] =	ssyncadd.s32 $0xFFFFC000  }
.Ltmp1:
0x5b: {  	s31 =	sor.u32 $0x1C07, s6;
	[bflag:$0x0] =	sbarrier.arrive $0xFFFF;
	(pc) =	sbr.rel @p0 .LBB2_1-.Ltmp1, $4  }
0x5c: {  	[hbm:s11], [sflag:s31] =	dma.local [spmem:s13], $0x9E0  }
0x5d: {  	_ =	swait.ge [sflag:s23], $0x9E0  }
0x5e: {  	[sflag:s23] =	ssyncset.done $0x0  }
0x5f: {  	[sflag:s23] =	ssyncadd.s32 $0xFFFFF620  }
0x60: {  	_ =	sfence.sel $0x180000  }
0x61: {  	[bflag:$0x0] =	sbarrier.arrive $0xFFFF  }
0x62: {  	_ =	strace $0x90000047  }
0x63: {  	s0 =	stileid.u32;
	[bflag:$0x2] =	sbarrier.arrive $0xFFFF  }
0x64: {  	p0 =	sne.s32 s0, $0x0;
	s0 =	rddreg [dreg:$0x4]  }
0x65: {  	s0 =	sadd.s32 @!p0 $0x100000, s0  }
0x66: {  	[sflag:s0] =	ssyncadd.tile.s32 @!p0 $0x1;
	_ =	shalt  }
.Lfunc_end2:
_tile_overlayer_lowered:
.L_overlay_start_2:
0x67: {  	(tag) =	ssettag $0x2  }
0x68: {  	s0 =	rddreg [dreg:$0x0];
	s2 =	stileid.u32  }
0x69: {  	s1 =	rddreg [dreg:$0x1];
	p0 =	sne.s32 s2, $0x0  }
0x6a: {  	s3 =	rddreg [dreg:$0x2];
	[bflag:$0x3] =	sbarrier.arrive $0xFFFF;
	s2 =	simm.s32 @!p0 $0x1C07  }
0x6b: {  	[timem:s3], [sflag:s2] =	dma.local @!p0 [hbm:s0], s1  }
0x6c: {  	s0 =	simm.s32 @!p0 $0x7  }
0x6d: {  	_ =	swait.ge @!p0 [sflag:s0], s1  }
0x6e: {  	s1 =	ssub.s32 @!p0 $0x0, s1;
	[sflag:s0] =	ssyncset.done @!p0 $0x0  }
0x6f: {  	[sflag:s0] =	ssyncadd.s32 @!p0 s1  }
0x70: {  	[bflag:$0x3] =	sbarrier.arrive $0xFFFF  }
0x71: {  	_ =	shalt  }

</sc_bundles>
